<compile_context>
chip_gen: v7x
topology: tpu7x:2x2x1
jax: 0.10.2.dev20260603
libtpu: 0.0.44.dev20260713+nightly
codegen_flags: <defaults>
</compile_context>

<pallas_src>
import functools
import math

import jax
import jax.numpy as jnp
from jax.experimental import pallas as pl
from jax.experimental.pallas import tpu as pltpu
from jax.experimental.pallas import tpu_sc as plsc

N = 10000
D = 128
K = 27
NPAD = 10240
SLICES = (7168, 3072)
NW = 32
CH = 432
NZ = 1024


def _prep_body(emb27_ref, sh27_ref, weight_ref, wsc_ref, o_ref):
    w = jnp.dot(emb27_ref[...], weight_ref[...],
                preferred_element_type=jnp.float32)
    scale = 1.0 / (K * math.sqrt(float(D)))
    o_ref[...] = w * sh27_ref[...] * scale
    o_ref[13:14, :] = o_ref[13:14, :] + wsc_ref[...] * (1.0 / math.sqrt(float(D)))


def _prep(emb27, sh27, weight, wsc_row):
    return pl.pallas_call(
        _prep_body,
        out_shape=jax.ShapeDtypeStruct((K, D * D), jnp.float32),
    )(emb27, sh27, weight, wsc_row)


def _sc_gather(x_pad, idx_slice, ns):
    total_s = ns * K
    bpw = total_s // NW
    nchunk = bpw // CH
    assert bpw % CH == 0 and total_s % NW == 0
    mesh = plsc.VectorSubcoreMesh(core_axis_name="c", subcore_axis_name="s")
    out_type = jax.ShapeDtypeStruct((total_s, D), x_pad.dtype)

    @functools.partial(
        pl.kernel, out_type=out_type, mesh=mesh,
        scratch_types=[
            pltpu.VMEM((CH,), jnp.int32),
            pltpu.VMEM((CH,), jnp.int32),
            pltpu.VMEM((CH, D), jnp.float32),
            pltpu.VMEM((CH, D), jnp.float32),
            pltpu.SemaphoreType.DMA,
            pltpu.SemaphoreType.DMA,
            pltpu.SemaphoreType.DMA,
            pltpu.SemaphoreType.DMA,
        ],
    )
    def gather_kernel(x_hbm, i_hbm, o_hbm, idx0, idx1, rows0, rows1,
                      gsem0, gsem1, wsem0, wsem1):
        wid = jax.lax.axis_index("s") * 2 + jax.lax.axis_index("c")
        base_w = wid * bpw
        idx_v = (idx0, idx1)
        rows_v = (rows0, rows1)
        gsem = (gsem0, gsem1)
        wsem = (wsem0, wsem1)

        gcopy = [None] * nchunk
        wcopy = [None] * nchunk
        for c in range(nchunk):
            b = c % 2
            if c >= 2:
                wcopy[c - 2].wait()
            base = base_w + c * CH
            pltpu.sync_copy(i_hbm.at[pl.ds(base, CH)], idx_v[b])
            gcopy[c] = pltpu.async_copy(x_hbm.at[idx_v[b]], rows_v[b], gsem[b])
            if c >= 1:
                gcopy[c - 1].wait()
                pb = (c - 1) % 2
                wcopy[c - 1] = pltpu.async_copy(
                    rows_v[pb], o_hbm.at[pl.ds(base_w + (c - 1) * CH, CH)],
                    wsem[pb])
        gcopy[nchunk - 1].wait()
        lb = (nchunk - 1) % 2
        wcopy[nchunk - 1] = pltpu.async_copy(
            rows_v[lb], o_hbm.at[pl.ds(base_w + (nchunk - 1) * CH, CH)],
            wsem[lb])
        wcopy[nchunk - 2].wait()
        wcopy[nchunk - 1].wait()

    return gather_kernel(x_pad, idx_slice)


def _conv_body(g_ref, a_ref, o_ref):
    k = pl.program_id(0)

    @pl.when(k == 0)
    def _():
        o_ref[...] = jnp.zeros_like(o_ref)

    o_ref[...] += jnp.dot(g_ref[...], a_ref[k],
                          preferred_element_type=jnp.float32)


def _conv(G, Akdd, ns):
    return pl.pallas_call(
        _conv_body,
        grid=(K,),
        in_specs=[
            pl.BlockSpec((ns, D), lambda k: (k, 0)),
            pl.BlockSpec((K, D, D), lambda k: (0, 0, 0)),
        ],
        out_specs=pl.BlockSpec((ns, D), lambda k: (0, 0)),
        out_shape=jax.ShapeDtypeStruct((ns, D), jnp.float32),
    )(G, Akdd)


def kernel(x, W_sc, weight, emb, sh, neigh_idx):
    x = x.astype(jnp.float32)
    x_pad = jnp.concatenate([x, jnp.zeros((NZ, D), x.dtype)], axis=0)
    idx = neigh_idx.astype(jnp.int32)
    idx_cols = jnp.pad(idx.T, ((0, 0), (0, NPAD - N)), constant_values=N)
    spread = N + jax.lax.rem(
        jax.lax.broadcasted_iota(jnp.int32, (K, NPAD), 1), jnp.int32(NZ))
    idx_cols = jnp.where(idx_cols == N, spread, idx_cols)
    emb27 = emb.transpose(2, 1, 0, 3).reshape(K, -1)
    sh27 = sh[..., 0].transpose(2, 1, 0).reshape(K, 1)
    wsc_row = W_sc.reshape(1, D * D)

    Akdd = _prep(emb27, sh27, weight, wsc_row).reshape(K, D, D)
    outs = []
    n0 = 0
    for ns in SLICES:
        idx_s = jax.lax.slice(idx_cols, (0, n0), (K, n0 + ns)).reshape(K * ns)
        G = _sc_gather(x_pad, idx_s, ns)
        outs.append(_conv(G, Akdd, ns))
        n0 += ns
    return jnp.concatenate(outs, axis=0)[:N]

# --- scband reference (transcript-rebuilt; emitter-appended) ---
"""Pipeline reference for scband-convolution-15333033247052 (READ-ONLY COPY).

The authoritative reference and input builder live on the scoring server;
editing this copy changes nothing except your own understanding.
"""

import jax, jax.numpy as jnp
import numpy as np
import math

N = 10000
D = 128
GRID = 48
NB = 8  # num_radial_basis
KS = 3  # kernel size per axis (diameter 3, steps 1.0)


def _soft_unit_step(x):
    pos = x > 0.0
    safe = np.where(pos, x, 1.0)
    return np.where(pos, np.exp(-1.0 / safe), 0.0)


def _soft_one_hot_smooth_finite(x, start, end, number):
    # e3nn.math.soft_one_hot_linspace with basis='smooth_finite', cutoff=True
    values = np.linspace(start, end, number + 2)
    step = values[1] - values[0]
    values = values[1:-1]
    diff = (x[..., None] - values) / step
    return (1.14136 * math.e ** 2 * _soft_unit_step(diff + 1.0) * _soft_unit_step(1.0 - diff)).astype(np.float32)


def setup_inputs(seed: int = 0) -> dict:
    rng = np.random.default_rng(0)
    # unique sparse voxel coordinates on a GRID^3 lattice
    lin = rng.choice(GRID ** 3, size=N, replace=False)
    coords = np.stack(np.unravel_index(lin, (GRID, GRID, GRID)), axis=-1).astype(np.int64)

    # lattice of kernel offsets (diameter=3.0, steps=(1,1,1) -> arange(-1, 2))
    ax = np.arange(-1, 2).astype(np.float64)
    lattice = np.stack(np.meshgrid(ax, ax, ax, indexing='ij'), axis=-1)  # [3,3,3,3]
    r = 3.0 / 2.0
    emb = _soft_one_hot_smooth_finite(np.linalg.norm(lattice, axis=-1), 0.0, r, NB)  # [3,3,3,NB]
    # spherical harmonics for irreps_sh = 1x0e with 'component' normalization: constant 1
    sh = np.ones((KS, KS, KS, 1), dtype=np.float32)

    # kernel offsets ordered to match kernel flattening einsum('xyzij->zyxij').reshape(-1, i, j):
    # flat index k -> z = k // 9, y = (k // 3) % 3, x = k % 3
    offsets = []
    for dz in (-1, 0, 1):
        for dy in (-1, 0, 1):
            for dx in (-1, 0, 1):
                offsets.append((dx, dy, dz))
    offsets = np.array(offsets, dtype=np.int64)  # [27,3]

    # inverse coordinate map (Minkowski coordinate manager equivalent)
    inv = np.full(GRID ** 3, N, dtype=np.int64)
    inv[lin] = np.arange(N, dtype=np.int64)
    nb = coords[:, None, :] + offsets[None, :, :]  # [N,27,3]
    inb = np.all((nb >= 0) & (nb < GRID), axis=-1)
    nb_lin = nb[..., 0] * GRID * GRID + nb[..., 1] * GRID + nb[..., 2]
    nb_lin = np.where(inb, nb_lin, 0)
    neigh_idx = np.where(inb, inv[nb_lin], N).astype(np.int64)  # [N,27], N = missing

    key = jax.random.key(seed)
    k1, k2, k3 = jax.random.split(key, 3)
    x = jax.random.normal(k1, (N, D), dtype=jnp.float32)
    W_sc = jax.random.normal(k2, (D, D), dtype=jnp.float32)       # e3nn Linear weight (self-connection)
    weight = jax.random.normal(k3, (NB, D * D), dtype=jnp.float32)  # tp weights per radial basis

    return {
        'x': x,
        'W_sc': W_sc,
        'weight': weight,
        'emb': jnp.asarray(emb),
        'sh': jnp.asarray(sh),
        'neigh_idx': jnp.asarray(neigh_idx),
    }


def reference(x, W_sc, weight, emb, sh, neigh_idx):
    X, Y, Z = emb.shape[:3]
    Din = x.shape[1]
    Dout = W_sc.shape[1]

    # kernel():
    w = jnp.einsum('xyzb,bf->xyzf', emb, weight)        # emb @ self.weight
    w = w / (X * Y * Z)
    # FullyConnectedTensorProduct(128x0e, 1x0e, 128x0e).right(sh, w):
    # scalar path, normalized by 1/sqrt(fan_in)
    kernel = sh[..., 0, None, None] * w.reshape(X, Y, Z, Din, Dout) / jnp.sqrt(jnp.asarray(Din, x.dtype))
    kernel = jnp.einsum('xyzij->zyxij', kernel).reshape(-1, Din, Dout)  # [27, Din, Dout]

    # sc = self.sc(x.F)   (e3nn Linear, scalar irreps -> x @ W / sqrt(fan_in))
    sc = (x @ W_sc) / jnp.sqrt(jnp.asarray(Din, x.dtype))

    # Minkowski sparse convolution: gather neighbor features per kernel offset,
    # apply per-offset [Din, Dout] matrix, sum. Missing neighbors -> zero row.
    x_pad = jnp.concatenate([x, jnp.zeros((1, Din), x.dtype)], axis=0)
    gathered = jnp.take(x_pad, neigh_idx, axis=0)       # [N, 27, Din]
    out = jnp.einsum('nki,kij->nj', gathered, kernel)   # [N, Dout]

    return sc + out

if __name__ == "__main__":
    import jax
    _d = setup_inputs()
    print(jax.jit(kernel)(*tuple(_d.values())))

</pallas_src>

<mosaic_0001>
#map = affine_map<(d0, d1) -> (0, 0)>
#map1 = affine_map<(d0, d1) -> (0)>
module attributes {stable_mosaic.version = 14 : i64} {
  func.func @gather_kernel(%arg0: i32, %arg1: i32, %arg2: memref<11024x128xf32, #tpu.memory_space<hbm>>, %arg3: memref<82944xi32, #tpu.memory_space<hbm>>, %arg4: memref<82944x128xf32, #tpu.memory_space<hbm>>, %arg5: memref<432xi32, #tpu.memory_space<vmem>>, %arg6: memref<432xi32, #tpu.memory_space<vmem>>, %arg7: memref<432x128xf32, #tpu.memory_space<vmem>>, %arg8: memref<432x128xf32, #tpu.memory_space<vmem>>, %arg9: memref<!tpu.dma_semaphore, #tpu.memory_space<semaphore_mem>>, %arg10: memref<!tpu.dma_semaphore, #tpu.memory_space<semaphore_mem>>, %arg11: memref<!tpu.dma_semaphore, #tpu.memory_space<semaphore_mem>>, %arg12: memref<!tpu.dma_semaphore, #tpu.memory_space<semaphore_mem>>) attributes {dimension_semantics = [#tpu.dimension_semantics<core_parallel>, #tpu.dimension_semantics<subcore_parallel>], iteration_bounds = array<i64: 2, 16>, scalar_prefetch = 0 : i64, scratch_operands = 8 : i64, tpu.core_type = #tpu.core_type<sc_vector_subcore>, window_params = [{transform_indices = #map}, {transform_indices = #map1}, {transform_indices = #map}]} {
    %mul3A = arith.constant 2 : i32
    %mul3A_0 = arith.muli %arg1, %mul3A : i32
    %add3A = arith.addi %mul3A_0, %arg0 : i32
    %mul3A_1 = arith.constant 2592 : i32
    %mul3A_2 = arith.muli %add3A, %mul3A_1 : i32
    %add3A_3 = arith.constant 0 : i32
    %add3A_4 = arith.addi %mul3A_2, %add3A_3 : i32
    "tpu.region"() ({
      %run_scoped3A = tpu.sem_alloc : memref<!tpu.dma_semaphore, #tpu.memory_space<semaphore_mem>>
      %dma_start3A_109 = tpu.memref_slice %arg3[%add3A_4] : memref<82944xi32, #tpu.memory_space<hbm>> -> memref<432xi32, #tpu.memory_space<hbm>>
      %dma_start3A_110 = tpu.memref_slice %arg3[%add3A_4] : memref<82944xi32, #tpu.memory_space<hbm>> -> memref<432xi32, #tpu.memory_space<hbm>>
      tpu.enqueue_dma source(%dma_start3A_110 : memref<432xi32, #tpu.memory_space<hbm>>) target(%arg5 : memref<432xi32, #tpu.memory_space<vmem>>) target_semaphore(%run_scoped3A : memref<!tpu.dma_semaphore, #tpu.memory_space<semaphore_mem>>)
      %dma_wait3A_111 = tpu.memref_slice %arg3[%add3A_4] : memref<82944xi32, #tpu.memory_space<hbm>> -> memref<432xi32, #tpu.memory_space<hbm>>
      %dma_wait3A_112 = tpu.memref_slice %arg3[%add3A_4] : memref<82944xi32, #tpu.memory_space<hbm>> -> memref<432xi32, #tpu.memory_space<hbm>>
      tpu.wait_dma2 semaphore(%run_scoped3A : memref<!tpu.dma_semaphore, #tpu.memory_space<semaphore_mem>>) src(%dma_wait3A_112 : memref<432xi32, #tpu.memory_space<hbm>>) dst(%arg5 : memref<432xi32, #tpu.memory_space<vmem>>)
      tpu.yield
    }) : () -> ()
    %dma_start3A = arith.constant 0 : i32
    %dma_start3A_5 = arith.constant 0 : i32
    %dma_start3A_6 = tpu.memref_slice %arg2[%dma_start3A, %dma_start3A_5] : memref<11024x128xf32, #tpu.memory_space<hbm>> -> memref<11024x128xf32, #tpu.memory_space<hbm>>
    tpu.enqueue_indirect_dma source(%dma_start3A_6 : memref<11024x128xf32, #tpu.memory_space<hbm>>) target(%arg7 : memref<432x128xf32, #tpu.memory_space<vmem>>) offsets(%arg5 : memref<432xi32, #tpu.memory_space<vmem>>) semaphore(%arg9 : memref<!tpu.dma_semaphore, #tpu.memory_space<semaphore_mem>>)
    %add3A_7 = arith.constant 432 : i32
    %add3A_8 = arith.addi %mul3A_2, %add3A_7 : i32
    "tpu.region"() ({
      %run_scoped3A = tpu.sem_alloc : memref<!tpu.dma_semaphore, #tpu.memory_space<semaphore_mem>>
      %dma_start3A_109 = tpu.memref_slice %arg3[%add3A_8] : memref<82944xi32, #tpu.memory_space<hbm>> -> memref<432xi32, #tpu.memory_space<hbm>>
      %dma_start3A_110 = tpu.memref_slice %arg3[%add3A_8] : memref<82944xi32, #tpu.memory_space<hbm>> -> memref<432xi32, #tpu.memory_space<hbm>>
      tpu.enqueue_dma source(%dma_start3A_110 : memref<432xi32, #tpu.memory_space<hbm>>) target(%arg6 : memref<432xi32, #tpu.memory_space<vmem>>) target_semaphore(%run_scoped3A : memref<!tpu.dma_semaphore, #tpu.memory_space<semaphore_mem>>)
      %dma_wait3A_111 = tpu.memref_slice %arg3[%add3A_8] : memref<82944xi32, #tpu.memory_space<hbm>> -> memref<432xi32, #tpu.memory_space<hbm>>
      %dma_wait3A_112 = tpu.memref_slice %arg3[%add3A_8] : memref<82944xi32, #tpu.memory_space<hbm>> -> memref<432xi32, #tpu.memory_space<hbm>>
      tpu.wait_dma2 semaphore(%run_scoped3A : memref<!tpu.dma_semaphore, #tpu.memory_space<semaphore_mem>>) src(%dma_wait3A_112 : memref<432xi32, #tpu.memory_space<hbm>>) dst(%arg6 : memref<432xi32, #tpu.memory_space<vmem>>)
      tpu.yield
    }) : () -> ()
    %dma_start3A_9 = arith.constant 0 : i32
    %dma_start3A_10 = arith.constant 0 : i32
    %dma_start3A_11 = tpu.memref_slice %arg2[%dma_start3A_9, %dma_start3A_10] : memref<11024x128xf32, #tpu.memory_space<hbm>> -> memref<11024x128xf32, #tpu.memory_space<hbm>>
    tpu.enqueue_indirect_dma source(%dma_start3A_11 : memref<11024x128xf32, #tpu.memory_space<hbm>>) target(%arg8 : memref<432x128xf32, #tpu.memory_space<vmem>>) offsets(%arg6 : memref<432xi32, #tpu.memory_space<vmem>>) semaphore(%arg10 : memref<!tpu.dma_semaphore, #tpu.memory_space<semaphore_mem>>)
    %dma_wait3A = arith.constant 0 : i32
    %dma_wait3A_12 = arith.constant 0 : i32
    %dma_wait3A_13 = tpu.memref_slice %arg2[%dma_wait3A, %dma_wait3A_12] : memref<11024x128xf32, #tpu.memory_space<hbm>> -> memref<11024x128xf32, #tpu.memory_space<hbm>>
    tpu.wait_indirect_dma semaphore(%arg9 : memref<!tpu.dma_semaphore, #tpu.memory_space<semaphore_mem>>) src(%dma_wait3A_13 : memref<11024x128xf32, #tpu.memory_space<hbm>>) dst(%arg7 : memref<432x128xf32, #tpu.memory_space<vmem>>)
    %add3A_14 = arith.constant 0 : i32
    %add3A_15 = arith.addi %mul3A_2, %add3A_14 : i32
    %dma_start3A_16 = arith.constant 0 : i32
    %dma_start3A_17 = tpu.memref_slice %arg4[%add3A_15, %dma_start3A_16] : memref<82944x128xf32, #tpu.memory_space<hbm>> -> memref<432x128xf32, #tpu.memory_space<hbm>>
    %dma_start3A_18 = arith.constant 0 : i32
    %dma_start3A_19 = tpu.memref_slice %arg4[%add3A_15, %dma_start3A_18] : memref<82944x128xf32, #tpu.memory_space<hbm>> -> memref<432x128xf32, #tpu.memory_space<hbm>>
    tpu.enqueue_dma source(%arg7 : memref<432x128xf32, #tpu.memory_space<vmem>>) target(%dma_start3A_19 : memref<432x128xf32, #tpu.memory_space<hbm>>) target_semaphore(%arg11 : memref<!tpu.dma_semaphore, #tpu.memory_space<semaphore_mem>>)
    %dma_wait3A_20 = arith.constant 0 : i32
    %dma_wait3A_21 = tpu.memref_slice %arg4[%add3A_15, %dma_wait3A_20] : memref<82944x128xf32, #tpu.memory_space<hbm>> -> memref<432x128xf32, #tpu.memory_space<hbm>>
    %dma_wait3A_22 = arith.constant 0 : i32
    %dma_wait3A_23 = tpu.memref_slice %arg4[%add3A_15, %dma_wait3A_22] : memref<82944x128xf32, #tpu.memory_space<hbm>> -> memref<432x128xf32, #tpu.memory_space<hbm>>
    tpu.wait_dma2 semaphore(%arg11 : memref<!tpu.dma_semaphore, #tpu.memory_space<semaphore_mem>>) src(%arg7 : memref<432x128xf32, #tpu.memory_space<vmem>>) dst(%dma_wait3A_23 : memref<432x128xf32, #tpu.memory_space<hbm>>)
    %add3A_24 = arith.constant 864 : i32
    %add3A_25 = arith.addi %mul3A_2, %add3A_24 : i32
    "tpu.region"() ({
      %run_scoped3A = tpu.sem_alloc : memref<!tpu.dma_semaphore, #tpu.memory_space<semaphore_mem>>
      %dma_start3A_109 = tpu.memref_slice %arg3[%add3A_25] : memref<82944xi32, #tpu.memory_space<hbm>> -> memref<432xi32, #tpu.memory_space<hbm>>
      %dma_start3A_110 = tpu.memref_slice %arg3[%add3A_25] : memref<82944xi32, #tpu.memory_space<hbm>> -> memref<432xi32, #tpu.memory_space<hbm>>
      tpu.enqueue_dma source(%dma_start3A_110 : memref<432xi32, #tpu.memory_space<hbm>>) target(%arg5 : memref<432xi32, #tpu.memory_space<vmem>>) target_semaphore(%run_scoped3A : memref<!tpu.dma_semaphore, #tpu.memory_space<semaphore_mem>>)
      %dma_wait3A_111 = tpu.memref_slice %arg3[%add3A_25] : memref<82944xi32, #tpu.memory_space<hbm>> -> memref<432xi32, #tpu.memory_space<hbm>>
      %dma_wait3A_112 = tpu.memref_slice %arg3[%add3A_25] : memref<82944xi32, #tpu.memory_space<hbm>> -> memref<432xi32, #tpu.memory_space<hbm>>
      tpu.wait_dma2 semaphore(%run_scoped3A : memref<!tpu.dma_semaphore, #tpu.memory_space<semaphore_mem>>) src(%dma_wait3A_112 : memref<432xi32, #tpu.memory_space<hbm>>) dst(%arg5 : memref<432xi32, #tpu.memory_space<vmem>>)
      tpu.yield
    }) : () -> ()
    %dma_start3A_26 = arith.constant 0 : i32
    %dma_start3A_27 = arith.constant 0 : i32
    %dma_start3A_28 = tpu.memref_slice %arg2[%dma_start3A_26, %dma_start3A_27] : memref<11024x128xf32, #tpu.memory_space<hbm>> -> memref<11024x128xf32, #tpu.memory_space<hbm>>
    tpu.enqueue_indirect_dma source(%dma_start3A_28 : memref<11024x128xf32, #tpu.memory_space<hbm>>) target(%arg7 : memref<432x128xf32, #tpu.memory_space<vmem>>) offsets(%arg5 : memref<432xi32, #tpu.memory_space<vmem>>) semaphore(%arg9 : memref<!tpu.dma_semaphore, #tpu.memory_space<semaphore_mem>>)
    %dma_wait3A_29 = arith.constant 0 : i32
    %dma_wait3A_30 = arith.constant 0 : i32
    %dma_wait3A_31 = tpu.memref_slice %arg2[%dma_wait3A_29, %dma_wait3A_30] : memref<11024x128xf32, #tpu.memory_space<hbm>> -> memref<11024x128xf32, #tpu.memory_space<hbm>>
    tpu.wait_indirect_dma semaphore(%arg10 : memref<!tpu.dma_semaphore, #tpu.memory_space<semaphore_mem>>) src(%dma_wait3A_31 : memref<11024x128xf32, #tpu.memory_space<hbm>>) dst(%arg8 : memref<432x128xf32, #tpu.memory_space<vmem>>)
    %add3A_32 = arith.constant 432 : i32
    %add3A_33 = arith.addi %mul3A_2, %add3A_32 : i32
    %dma_start3A_34 = arith.constant 0 : i32
    %dma_start3A_35 = tpu.memref_slice %arg4[%add3A_33, %dma_start3A_34] : memref<82944x128xf32, #tpu.memory_space<hbm>> -> memref<432x128xf32, #tpu.memory_space<hbm>>
    %dma_start3A_36 = arith.constant 0 : i32
    %dma_start3A_37 = tpu.memref_slice %arg4[%add3A_33, %dma_start3A_36] : memref<82944x128xf32, #tpu.memory_space<hbm>> -> memref<432x128xf32, #tpu.memory_space<hbm>>
    tpu.enqueue_dma source(%arg8 : memref<432x128xf32, #tpu.memory_space<vmem>>) target(%dma_start3A_37 : memref<432x128xf32, #tpu.memory_space<hbm>>) target_semaphore(%arg12 : memref<!tpu.dma_semaphore, #tpu.memory_space<semaphore_mem>>)
    %dma_wait3A_38 = arith.constant 0 : i32
    %dma_wait3A_39 = tpu.memref_slice %arg4[%add3A_33, %dma_wait3A_38] : memref<82944x128xf32, #tpu.memory_space<hbm>> -> memref<432x128xf32, #tpu.memory_space<hbm>>
    %dma_wait3A_40 = arith.constant 0 : i32
    %dma_wait3A_41 = tpu.memref_slice %arg4[%add3A_33, %dma_wait3A_40] : memref<82944x128xf32, #tpu.memory_space<hbm>> -> memref<432x128xf32, #tpu.memory_space<hbm>>
    tpu.wait_dma2 semaphore(%arg12 : memref<!tpu.dma_semaphore, #tpu.memory_space<semaphore_mem>>) src(%arg8 : memref<432x128xf32, #tpu.memory_space<vmem>>) dst(%dma_wait3A_41 : memref<432x128xf32, #tpu.memory_space<hbm>>)
    %add3A_42 = arith.constant 1296 : i32
    %add3A_43 = arith.addi %mul3A_2, %add3A_42 : i32
    "tpu.region"() ({
      %run_scoped3A = tpu.sem_alloc : memref<!tpu.dma_semaphore, #tpu.memory_space<semaphore_mem>>
      %dma_start3A_109 = tpu.memref_slice %arg3[%add3A_43] : memref<82944xi32, #tpu.memory_space<hbm>> -> memref<432xi32, #tpu.memory_space<hbm>>
      %dma_start3A_110 = tpu.memref_slice %arg3[%add3A_43] : memref<82944xi32, #tpu.memory_space<hbm>> -> memref<432xi32, #tpu.memory_space<hbm>>
      tpu.enqueue_dma source(%dma_start3A_110 : memref<432xi32, #tpu.memory_space<hbm>>) target(%arg6 : memref<432xi32, #tpu.memory_space<vmem>>) target_semaphore(%run_scoped3A : memref<!tpu.dma_semaphore, #tpu.memory_space<semaphore_mem>>)
      %dma_wait3A_111 = tpu.memref_slice %arg3[%add3A_43] : memref<82944xi32, #tpu.memory_space<hbm>> -> memref<432xi32, #tpu.memory_space<hbm>>
      %dma_wait3A_112 = tpu.memref_slice %arg3[%add3A_43] : memref<82944xi32, #tpu.memory_space<hbm>> -> memref<432xi32, #tpu.memory_space<hbm>>
      tpu.wait_dma2 semaphore(%run_scoped3A : memref<!tpu.dma_semaphore, #tpu.memory_space<semaphore_mem>>) src(%dma_wait3A_112 : memref<432xi32, #tpu.memory_space<hbm>>) dst(%arg6 : memref<432xi32, #tpu.memory_space<vmem>>)
      tpu.yield
    }) : () -> ()
    %dma_start3A_44 = arith.constant 0 : i32
    %dma_start3A_45 = arith.constant 0 : i32
    %dma_start3A_46 = tpu.memref_slice %arg2[%dma_start3A_44, %dma_start3A_45] : memref<11024x128xf32, #tpu.memory_space<hbm>> -> memref<11024x128xf32, #tpu.memory_space<hbm>>
    tpu.enqueue_indirect_dma source(%dma_start3A_46 : memref<11024x128xf32, #tpu.memory_space<hbm>>) target(%arg8 : memref<432x128xf32, #tpu.memory_space<vmem>>) offsets(%arg6 : memref<432xi32, #tpu.memory_space<vmem>>) semaphore(%arg10 : memref<!tpu.dma_semaphore, #tpu.memory_space<semaphore_mem>>)
    %dma_wait3A_47 = arith.constant 0 : i32
    %dma_wait3A_48 = arith.constant 0 : i32
    %dma_wait3A_49 = tpu.memref_slice %arg2[%dma_wait3A_47, %dma_wait3A_48] : memref<11024x128xf32, #tpu.memory_space<hbm>> -> memref<11024x128xf32, #tpu.memory_space<hbm>>
    tpu.wait_indirect_dma semaphore(%arg9 : memref<!tpu.dma_semaphore, #tpu.memory_space<semaphore_mem>>) src(%dma_wait3A_49 : memref<11024x128xf32, #tpu.memory_space<hbm>>) dst(%arg7 : memref<432x128xf32, #tpu.memory_space<vmem>>)
    %add3A_50 = arith.constant 864 : i32
    %add3A_51 = arith.addi %mul3A_2, %add3A_50 : i32
    %dma_start3A_52 = arith.constant 0 : i32
    %dma_start3A_53 = tpu.memref_slice %arg4[%add3A_51, %dma_start3A_52] : memref<82944x128xf32, #tpu.memory_space<hbm>> -> memref<432x128xf32, #tpu.memory_space<hbm>>
    %dma_start3A_54 = arith.constant 0 : i32
    %dma_start3A_55 = tpu.memref_slice %arg4[%add3A_51, %dma_start3A_54] : memref<82944x128xf32, #tpu.memory_space<hbm>> -> memref<432x128xf32, #tpu.memory_space<hbm>>
    tpu.enqueue_dma source(%arg7 : memref<432x128xf32, #tpu.memory_space<vmem>>) target(%dma_start3A_55 : memref<432x128xf32, #tpu.memory_space<hbm>>) target_semaphore(%arg11 : memref<!tpu.dma_semaphore, #tpu.memory_space<semaphore_mem>>)
    %dma_wait3A_56 = arith.constant 0 : i32
    %dma_wait3A_57 = tpu.memref_slice %arg4[%add3A_51, %dma_wait3A_56] : memref<82944x128xf32, #tpu.memory_space<hbm>> -> memref<432x128xf32, #tpu.memory_space<hbm>>
    %dma_wait3A_58 = arith.constant 0 : i32
    %dma_wait3A_59 = tpu.memref_slice %arg4[%add3A_51, %dma_wait3A_58] : memref<82944x128xf32, #tpu.memory_space<hbm>> -> memref<432x128xf32, #tpu.memory_space<hbm>>
    tpu.wait_dma2 semaphore(%arg11 : memref<!tpu.dma_semaphore, #tpu.memory_space<semaphore_mem>>) src(%arg7 : memref<432x128xf32, #tpu.memory_space<vmem>>) dst(%dma_wait3A_59 : memref<432x128xf32, #tpu.memory_space<hbm>>)
    %add3A_60 = arith.constant 1728 : i32
    %add3A_61 = arith.addi %mul3A_2, %add3A_60 : i32
    "tpu.region"() ({
      %run_scoped3A = tpu.sem_alloc : memref<!tpu.dma_semaphore, #tpu.memory_space<semaphore_mem>>
      %dma_start3A_109 = tpu.memref_slice %arg3[%add3A_61] : memref<82944xi32, #tpu.memory_space<hbm>> -> memref<432xi32, #tpu.memory_space<hbm>>
      %dma_start3A_110 = tpu.memref_slice %arg3[%add3A_61] : memref<82944xi32, #tpu.memory_space<hbm>> -> memref<432xi32, #tpu.memory_space<hbm>>
      tpu.enqueue_dma source(%dma_start3A_110 : memref<432xi32, #tpu.memory_space<hbm>>) target(%arg5 : memref<432xi32, #tpu.memory_space<vmem>>) target_semaphore(%run_scoped3A : memref<!tpu.dma_semaphore, #tpu.memory_space<semaphore_mem>>)
      %dma_wait3A_111 = tpu.memref_slice %arg3[%add3A_61] : memref<82944xi32, #tpu.memory_space<hbm>> -> memref<432xi32, #tpu.memory_space<hbm>>
      %dma_wait3A_112 = tpu.memref_slice %arg3[%add3A_61] : memref<82944xi32, #tpu.memory_space<hbm>> -> memref<432xi32, #tpu.memory_space<hbm>>
      tpu.wait_dma2 semaphore(%run_scoped3A : memref<!tpu.dma_semaphore, #tpu.memory_space<semaphore_mem>>) src(%dma_wait3A_112 : memref<432xi32, #tpu.memory_space<hbm>>) dst(%arg5 : memref<432xi32, #tpu.memory_space<vmem>>)
      tpu.yield
    }) : () -> ()
    %dma_start3A_62 = arith.constant 0 : i32
    %dma_start3A_63 = arith.constant 0 : i32
    %dma_start3A_64 = tpu.memref_slice %arg2[%dma_start3A_62, %dma_start3A_63] : memref<11024x128xf32, #tpu.memory_space<hbm>> -> memref<11024x128xf32, #tpu.memory_space<hbm>>
    tpu.enqueue_indirect_dma source(%dma_start3A_64 : memref<11024x128xf32, #tpu.memory_space<hbm>>) target(%arg7 : memref<432x128xf32, #tpu.memory_space<vmem>>) offsets(%arg5 : memref<432xi32, #tpu.memory_space<vmem>>) semaphore(%arg9 : memref<!tpu.dma_semaphore, #tpu.memory_space<semaphore_mem>>)
    %dma_wait3A_65 = arith.constant 0 : i32
    %dma_wait3A_66 = arith.constant 0 : i32
    %dma_wait3A_67 = tpu.memref_slice %arg2[%dma_wait3A_65, %dma_wait3A_66] : memref<11024x128xf32, #tpu.memory_space<hbm>> -> memref<11024x128xf32, #tpu.memory_space<hbm>>
    tpu.wait_indirect_dma semaphore(%arg10 : memref<!tpu.dma_semaphore, #tpu.memory_space<semaphore_mem>>) src(%dma_wait3A_67 : memref<11024x128xf32, #tpu.memory_space<hbm>>) dst(%arg8 : memref<432x128xf32, #tpu.memory_space<vmem>>)
    %add3A_68 = arith.constant 1296 : i32
    %add3A_69 = arith.addi %mul3A_2, %add3A_68 : i32
    %dma_start3A_70 = arith.constant 0 : i32
    %dma_start3A_71 = tpu.memref_slice %arg4[%add3A_69, %dma_start3A_70] : memref<82944x128xf32, #tpu.memory_space<hbm>> -> memref<432x128xf32, #tpu.memory_space<hbm>>
    %dma_start3A_72 = arith.constant 0 : i32
    %dma_start3A_73 = tpu.memref_slice %arg4[%add3A_69, %dma_start3A_72] : memref<82944x128xf32, #tpu.memory_space<hbm>> -> memref<432x128xf32, #tpu.memory_space<hbm>>
    tpu.enqueue_dma source(%arg8 : memref<432x128xf32, #tpu.memory_space<vmem>>) target(%dma_start3A_73 : memref<432x128xf32, #tpu.memory_space<hbm>>) target_semaphore(%arg12 : memref<!tpu.dma_semaphore, #tpu.memory_space<semaphore_mem>>)
    %dma_wait3A_74 = arith.constant 0 : i32
    %dma_wait3A_75 = tpu.memref_slice %arg4[%add3A_69, %dma_wait3A_74] : memref<82944x128xf32, #tpu.memory_space<hbm>> -> memref<432x128xf32, #tpu.memory_space<hbm>>
    %dma_wait3A_76 = arith.constant 0 : i32
    %dma_wait3A_77 = tpu.memref_slice %arg4[%add3A_69, %dma_wait3A_76] : memref<82944x128xf32, #tpu.memory_space<hbm>> -> memref<432x128xf32, #tpu.memory_space<hbm>>
    tpu.wait_dma2 semaphore(%arg12 : memref<!tpu.dma_semaphore, #tpu.memory_space<semaphore_mem>>) src(%arg8 : memref<432x128xf32, #tpu.memory_space<vmem>>) dst(%dma_wait3A_77 : memref<432x128xf32, #tpu.memory_space<hbm>>)
    %add3A_78 = arith.constant 2160 : i32
    %add3A_79 = arith.addi %mul3A_2, %add3A_78 : i32
    "tpu.region"() ({
      %run_scoped3A = tpu.sem_alloc : memref<!tpu.dma_semaphore, #tpu.memory_space<semaphore_mem>>
      %dma_start3A_109 = tpu.memref_slice %arg3[%add3A_79] : memref<82944xi32, #tpu.memory_space<hbm>> -> memref<432xi32, #tpu.memory_space<hbm>>
      %dma_start3A_110 = tpu.memref_slice %arg3[%add3A_79] : memref<82944xi32, #tpu.memory_space<hbm>> -> memref<432xi32, #tpu.memory_space<hbm>>
      tpu.enqueue_dma source(%dma_start3A_110 : memref<432xi32, #tpu.memory_space<hbm>>) target(%arg6 : memref<432xi32, #tpu.memory_space<vmem>>) target_semaphore(%run_scoped3A : memref<!tpu.dma_semaphore, #tpu.memory_space<semaphore_mem>>)
      %dma_wait3A_111 = tpu.memref_slice %arg3[%add3A_79] : memref<82944xi32, #tpu.memory_space<hbm>> -> memref<432xi32, #tpu.memory_space<hbm>>
      %dma_wait3A_112 = tpu.memref_slice %arg3[%add3A_79] : memref<82944xi32, #tpu.memory_space<hbm>> -> memref<432xi32, #tpu.memory_space<hbm>>
      tpu.wait_dma2 semaphore(%run_scoped3A : memref<!tpu.dma_semaphore, #tpu.memory_space<semaphore_mem>>) src(%dma_wait3A_112 : memref<432xi32, #tpu.memory_space<hbm>>) dst(%arg6 : memref<432xi32, #tpu.memory_space<vmem>>)
      tpu.yield
    }) : () -> ()
    %dma_start3A_80 = arith.constant 0 : i32
    %dma_start3A_81 = arith.constant 0 : i32
    %dma_start3A_82 = tpu.memref_slice %arg2[%dma_start3A_80, %dma_start3A_81] : memref<11024x128xf32, #tpu.memory_space<hbm>> -> memref<11024x128xf32, #tpu.memory_space<hbm>>
    tpu.enqueue_indirect_dma source(%dma_start3A_82 : memref<11024x128xf32, #tpu.memory_space<hbm>>) target(%arg8 : memref<432x128xf32, #tpu.memory_space<vmem>>) offsets(%arg6 : memref<432xi32, #tpu.memory_space<vmem>>) semaphore(%arg10 : memref<!tpu.dma_semaphore, #tpu.memory_space<semaphore_mem>>)
    %dma_wait3A_83 = arith.constant 0 : i32
    %dma_wait3A_84 = arith.constant 0 : i32
    %dma_wait3A_85 = tpu.memref_slice %arg2[%dma_wait3A_83, %dma_wait3A_84] : memref<11024x128xf32, #tpu.memory_space<hbm>> -> memref<11024x128xf32, #tpu.memory_space<hbm>>
    tpu.wait_indirect_dma semaphore(%arg9 : memref<!tpu.dma_semaphore, #tpu.memory_space<semaphore_mem>>) src(%dma_wait3A_85 : memref<11024x128xf32, #tpu.memory_space<hbm>>) dst(%arg7 : memref<432x128xf32, #tpu.memory_space<vmem>>)
    %add3A_86 = arith.constant 1728 : i32
    %add3A_87 = arith.addi %mul3A_2, %add3A_86 : i32
    %dma_start3A_88 = arith.constant 0 : i32
    %dma_start3A_89 = tpu.memref_slice %arg4[%add3A_87, %dma_start3A_88] : memref<82944x128xf32, #tpu.memory_space<hbm>> -> memref<432x128xf32, #tpu.memory_space<hbm>>
    %dma_start3A_90 = arith.constant 0 : i32
    %dma_start3A_91 = tpu.memref_slice %arg4[%add3A_87, %dma_start3A_90] : memref<82944x128xf32, #tpu.memory_space<hbm>> -> memref<432x128xf32, #tpu.memory_space<hbm>>
    tpu.enqueue_dma source(%arg7 : memref<432x128xf32, #tpu.memory_space<vmem>>) target(%dma_start3A_91 : memref<432x128xf32, #tpu.memory_space<hbm>>) target_semaphore(%arg11 : memref<!tpu.dma_semaphore, #tpu.memory_space<semaphore_mem>>)
    %dma_wait3A_92 = arith.constant 0 : i32
    %dma_wait3A_93 = arith.constant 0 : i32
    %dma_wait3A_94 = tpu.memref_slice %arg2[%dma_wait3A_92, %dma_wait3A_93] : memref<11024x128xf32, #tpu.memory_space<hbm>> -> memref<11024x128xf32, #tpu.memory_space<hbm>>
    tpu.wait_indirect_dma semaphore(%arg10 : memref<!tpu.dma_semaphore, #tpu.memory_space<semaphore_mem>>) src(%dma_wait3A_94 : memref<11024x128xf32, #tpu.memory_space<hbm>>) dst(%arg8 : memref<432x128xf32, #tpu.memory_space<vmem>>)
    %add3A_95 = arith.constant 2160 : i32
    %add3A_96 = arith.addi %mul3A_2, %add3A_95 : i32
    %dma_start3A_97 = arith.constant 0 : i32
    %dma_start3A_98 = tpu.memref_slice %arg4[%add3A_96, %dma_start3A_97] : memref<82944x128xf32, #tpu.memory_space<hbm>> -> memref<432x128xf32, #tpu.memory_space<hbm>>
    %dma_start3A_99 = arith.constant 0 : i32
    %dma_start3A_100 = tpu.memref_slice %arg4[%add3A_96, %dma_start3A_99] : memref<82944x128xf32, #tpu.memory_space<hbm>> -> memref<432x128xf32, #tpu.memory_space<hbm>>
    tpu.enqueue_dma source(%arg8 : memref<432x128xf32, #tpu.memory_space<vmem>>) target(%dma_start3A_100 : memref<432x128xf32, #tpu.memory_space<hbm>>) target_semaphore(%arg12 : memref<!tpu.dma_semaphore, #tpu.memory_space<semaphore_mem>>)
    %dma_wait3A_101 = arith.constant 0 : i32
    %dma_wait3A_102 = tpu.memref_slice %arg4[%add3A_87, %dma_wait3A_101] : memref<82944x128xf32, #tpu.memory_space<hbm>> -> memref<432x128xf32, #tpu.memory_space<hbm>>
    %dma_wait3A_103 = arith.constant 0 : i32
    %dma_wait3A_104 = tpu.memref_slice %arg4[%add3A_87, %dma_wait3A_103] : memref<82944x128xf32, #tpu.memory_space<hbm>> -> memref<432x128xf32, #tpu.memory_space<hbm>>
    tpu.wait_dma2 semaphore(%arg11 : memref<!tpu.dma_semaphore, #tpu.memory_space<semaphore_mem>>) src(%arg7 : memref<432x128xf32, #tpu.memory_space<vmem>>) dst(%dma_wait3A_104 : memref<432x128xf32, #tpu.memory_space<hbm>>)
    %dma_wait3A_105 = arith.constant 0 : i32
    %dma_wait3A_106 = tpu.memref_slice %arg4[%add3A_96, %dma_wait3A_105] : memref<82944x128xf32, #tpu.memory_space<hbm>> -> memref<432x128xf32, #tpu.memory_space<hbm>>
    %dma_wait3A_107 = arith.constant 0 : i32
    %dma_wait3A_108 = tpu.memref_slice %arg4[%add3A_96, %dma_wait3A_107] : memref<82944x128xf32, #tpu.memory_space<hbm>> -> memref<432x128xf32, #tpu.memory_space<hbm>>
    tpu.wait_dma2 semaphore(%arg12 : memref<!tpu.dma_semaphore, #tpu.memory_space<semaphore_mem>>) src(%arg8 : memref<432x128xf32, #tpu.memory_space<vmem>>) dst(%dma_wait3A_108 : memref<432x128xf32, #tpu.memory_space<hbm>>)
    return
  }
}

#map = affine_map<(d0, d1) -> (0, 0)>
#map1 = affine_map<(d0, d1) -> (0)>
module attributes {stable_mosaic.version = 14 : i64} {
  func.func @gather_kernel(%arg0: i32, %arg1: i32, %arg2: memref<11024x128xf32, #tpu.memory_space<hbm>>, %arg3: memref<193536xi32, #tpu.memory_space<hbm>>, %arg4: memref<193536x128xf32, #tpu.memory_space<hbm>>, %arg5: memref<432xi32, #tpu.memory_space<vmem>>, %arg6: memref<432xi32, #tpu.memory_space<vmem>>, %arg7: memref<432x128xf32, #tpu.memory_space<vmem>>, %arg8: memref<432x128xf32, #tpu.memory_space<vmem>>, %arg9: memref<!tpu.dma_semaphore, #tpu.memory_space<semaphore_mem>>, %arg10: memref<!tpu.dma_semaphore, #tpu.memory_space<semaphore_mem>>, %arg11: memref<!tpu.dma_semaphore, #tpu.memory_space<semaphore_mem>>, %arg12: memref<!tpu.dma_semaphore, #tpu.memory_space<semaphore_mem>>) attributes {dimension_semantics = [#tpu.dimension_semantics<core_parallel>, #tpu.dimension_semantics<subcore_parallel>], iteration_bounds = array<i64: 2, 16>, scalar_prefetch = 0 : i64, scratch_operands = 8 : i64, tpu.core_type = #tpu.core_type<sc_vector_subcore>, window_params = [{transform_indices = #map}, {transform_indices = #map1}, {transform_indices = #map}]} {
    %mul3A = arith.constant 2 : i32
    %mul3A_0 = arith.muli %arg1, %mul3A : i32
    %add3A = arith.addi %mul3A_0, %arg0 : i32
    %mul3A_1 = arith.constant 6048 : i32
    %mul3A_2 = arith.muli %add3A, %mul3A_1 : i32
    %add3A_3 = arith.constant 0 : i32
    %add3A_4 = arith.addi %mul3A_2, %add3A_3 : i32
    "tpu.region"() ({
      %run_scoped3A = tpu.sem_alloc : memref<!tpu.dma_semaphore, #tpu.memory_space<semaphore_mem>>
      %dma_start3A_253 = tpu.memref_slice %arg3[%add3A_4] : memref<193536xi32, #tpu.memory_space<hbm>> -> memref<432xi32, #tpu.memory_space<hbm>>
      %dma_start3A_254 = tpu.memref_slice %arg3[%add3A_4] : memref<193536xi32, #tpu.memory_space<hbm>> -> memref<432xi32, #tpu.memory_space<hbm>>
      tpu.enqueue_dma source(%dma_start3A_254 : memref<432xi32, #tpu.memory_space<hbm>>) target(%arg5 : memref<432xi32, #tpu.memory_space<vmem>>) target_semaphore(%run_scoped3A : memref<!tpu.dma_semaphore, #tpu.memory_space<semaphore_mem>>)
      %dma_wait3A_255 = tpu.memref_slice %arg3[%add3A_4] : memref<193536xi32, #tpu.memory_space<hbm>> -> memref<432xi32, #tpu.memory_space<hbm>>
      %dma_wait3A_256 = tpu.memref_slice %arg3[%add3A_4] : memref<193536xi32, #tpu.memory_space<hbm>> -> memref<432xi32, #tpu.memory_space<hbm>>
      tpu.wait_dma2 semaphore(%run_scoped3A : memref<!tpu.dma_semaphore, #tpu.memory_space<semaphore_mem>>) src(%dma_wait3A_256 : memref<432xi32, #tpu.memory_space<hbm>>) dst(%arg5 : memref<432xi32, #tpu.memory_space<vmem>>)
      tpu.yield
    }) : () -> ()
    %dma_start3A = arith.constant 0 : i32
    %dma_start3A_5 = arith.constant 0 : i32
    %dma_start3A_6 = tpu.memref_slice %arg2[%dma_start3A, %dma_start3A_5] : memref<11024x128xf32, #tpu.memory_space<hbm>> -> memref<11024x128xf32, #tpu.memory_space<hbm>>
    tpu.enqueue_indirect_dma source(%dma_start3A_6 : memref<11024x128xf32, #tpu.memory_space<hbm>>) target(%arg7 : memref<432x128xf32, #tpu.memory_space<vmem>>) offsets(%arg5 : memref<432xi32, #tpu.memory_space<vmem>>) semaphore(%arg9 : memref<!tpu.dma_semaphore, #tpu.memory_space<semaphore_mem>>)
    %add3A_7 = arith.constant 432 : i32
    %add3A_8 = arith.addi %mul3A_2, %add3A_7 : i32
    "tpu.region"() ({
      %run_scoped3A = tpu.sem_alloc : memref<!tpu.dma_semaphore, #tpu.memory_space<semaphore_mem>>
      %dma_start3A_253 = tpu.memref_slice %arg3[%add3A_8] : memref<193536xi32, #tpu.memory_space<hbm>> -> memref<432xi32, #tpu.memory_space<hbm>>
      %dma_start3A_254 = tpu.memref_slice %arg3[%add3A_8] : memref<193536xi32, #tpu.memory_space<hbm>> -> memref<432xi32, #tpu.memory_space<hbm>>
      tpu.enqueue_dma source(%dma_start3A_254 : memref<432xi32, #tpu.memory_space<hbm>>) target(%arg6 : memref<432xi32, #tpu.memory_space<vmem>>) target_semaphore(%run_scoped3A : memref<!tpu.dma_semaphore, #tpu.memory_space<semaphore_mem>>)
      %dma_wait3A_255 = tpu.memref_slice %arg3[%add3A_8] : memref<193536xi32, #tpu.memory_space<hbm>> -> memref<432xi32, #tpu.memory_space<hbm>>
      %dma_wait3A_256 = tpu.memref_slice %arg3[%add3A_8] : memref<193536xi32, #tpu.memory_space<hbm>> -> memref<432xi32, #tpu.memory_space<hbm>>
      tpu.wait_dma2 semaphore(%run_scoped3A : memref<!tpu.dma_semaphore, #tpu.memory_space<semaphore_mem>>) src(%dma_wait3A_256 : memref<432xi32, #tpu.memory_space<hbm>>) dst(%arg6 : memref<432xi32, #tpu.memory_space<vmem>>)
      tpu.yield
    }) : () -> ()
    %dma_start3A_9 = arith.constant 0 : i32
    %dma_start3A_10 = arith.constant 0 : i32
    %dma_start3A_11 = tpu.memref_slice %arg2[%dma_start3A_9, %dma_start3A_10] : memref<11024x128xf32, #tpu.memory_space<hbm>> -> memref<11024x128xf32, #tpu.memory_space<hbm>>
    tpu.enqueue_indirect_dma source(%dma_start3A_11 : memref<11024x128xf32, #tpu.memory_space<hbm>>) target(%arg8 : memref<432x128xf32, #tpu.memory_space<vmem>>) offsets(%arg6 : memref<432xi32, #tpu.memory_space<vmem>>) semaphore(%arg10 : memref<!tpu.dma_semaphore, #tpu.memory_space<semaphore_mem>>)
    %dma_wait3A = arith.constant 0 : i32
    %dma_wait3A_12 = arith.constant 0 : i32
    %dma_wait3A_13 = tpu.memref_slice %arg2[%dma_wait3A, %dma_wait3A_12] : memref<11024x128xf32, #tpu.memory_space<hbm>> -> memref<11024x128xf32, #tpu.memory_space<hbm>>
    tpu.wait_indirect_dma semaphore(%arg9 : memref<!tpu.dma_semaphore, #tpu.memory_space<semaphore_mem>>) src(%dma_wait3A_13 : memref<11024x128xf32, #tpu.memory_space<hbm>>) dst(%arg7 : memref<432x128xf32, #tpu.memory_space<vmem>>)
    %add3A_14 = arith.constant 0 : i32
    %add3A_15 = arith.addi %mul3A_2, %add3A_14 : i32
    %dma_start3A_16 = arith.constant 0 : i32
    %dma_start3A_17 = tpu.memref_slice %arg4[%add3A_15, %dma_start3A_16] : memref<193536x128xf32, #tpu.memory_space<hbm>> -> memref<432x128xf32, #tpu.memory_space<hbm>>
    %dma_start3A_18 = arith.constant 0 : i32
    %dma_start3A_19 = tpu.memref_slice %arg4[%add3A_15, %dma_start3A_18] : memref<193536x128xf32, #tpu.memory_space<hbm>> -> memref<432x128xf32, #tpu.memory_space<hbm>>
    tpu.enqueue_dma source(%arg7 : memref<432x128xf32, #tpu.memory_space<vmem>>) target(%dma_start3A_19 : memref<432x128xf32, #tpu.memory_space<hbm>>) target_semaphore(%arg11 : memref<!tpu.dma_semaphore, #tpu.memory_space<semaphore_mem>>)
    %dma_wait3A_20 = arith.constant 0 : i32
    %dma_wait3A_21 = tpu.memref_slice %arg4[%add3A_15, %dma_wait3A_20] : memref<193536x128xf32, #tpu.memory_space<hbm>> -> memref<432x128xf32, #tpu.memory_space<hbm>>
    %dma_wait3A_22 = arith.constant 0 : i32
    %dma_wait3A_23 = tpu.memref_slice %arg4[%add3A_15, %dma_wait3A_22] : memref<193536x128xf32, #tpu.memory_space<hbm>> -> memref<432x128xf32, #tpu.memory_space<hbm>>
    tpu.wait_dma2 semaphore(%arg11 : memref<!tpu.dma_semaphore, #tpu.memory_space<semaphore_mem>>) src(%arg7 : memref<432x128xf32, #tpu.memory_space<vmem>>) dst(%dma_wait3A_23 : memref<432x128xf32, #tpu.memory_space<hbm>>)
    %add3A_24 = arith.constant 864 : i32
    %add3A_25 = arith.addi %mul3A_2, %add3A_24 : i32
    "tpu.region"() ({
      %run_scoped3A = tpu.sem_alloc : memref<!tpu.dma_semaphore, #tpu.memory_space<semaphore_mem>>
      %dma_start3A_253 = tpu.memref_slice %arg3[%add3A_25] : memref<193536xi32, #tpu.memory_space<hbm>> -> memref<432xi32, #tpu.memory_space<hbm>>
      %dma_start3A_254 = tpu.memref_slice %arg3[%add3A_25] : memref<193536xi32, #tpu.memory_space<hbm>> -> memref<432xi32, #tpu.memory_space<hbm>>
      tpu.enqueue_dma source(%dma_start3A_254 : memref<432xi32, #tpu.memory_space<hbm>>) target(%arg5 : memref<432xi32, #tpu.memory_space<vmem>>) target_semaphore(%run_scoped3A : memref<!tpu.dma_semaphore, #tpu.memory_space<semaphore_mem>>)
      %dma_wait3A_255 = tpu.memref_slice %arg3[%add3A_25] : memref<193536xi32, #tpu.memory_space<hbm>> -> memref<432xi32, #tpu.memory_space<hbm>>
      %dma_wait3A_256 = tpu.memref_slice %arg3[%add3A_25] : memref<193536xi32, #tpu.memory_space<hbm>> -> memref<432xi32, #tpu.memory_space<hbm>>
      tpu.wait_dma2 semaphore(%run_scoped3A : memref<!tpu.dma_semaphore, #tpu.memory_space<semaphore_mem>>) src(%dma_wait3A_256 : memref<432xi32, #tpu.memory_space<hbm>>) dst(%arg5 : memref<432xi32, #tpu.memory_space<vmem>>)
      tpu.yield
    }) : () -> ()
    %dma_start3A_26 = arith.constant 0 : i32
    %dma_start3A_27 = arith.constant 0 : i32
    %dma_start3A_28 = tpu.memref_slice %arg2[%dma_start3A_26, %dma_start3A_27] : memref<11024x128xf32, #tpu.memory_space<hbm>> -> memref<11024x128xf32, #tpu.memory_space<hbm>>
    tpu.enqueue_indirect_dma source(%dma_start3A_28 : memref<11024x128xf32, #tpu.memory_space<hbm>>) target(%arg7 : memref<432x128xf32, #tpu.memory_space<vmem>>) offsets(%arg5 : memref<432xi32, #tpu.memory_space<vmem>>) semaphore(%arg9 : memref<!tpu.dma_semaphore, #tpu.memory_space<semaphore_mem>>)
    %dma_wait3A_29 = arith.constant 0 : i32
    %dma_wait3A_30 = arith.constant 0 : i32
    %dma_wait3A_31 = tpu.memref_slice %arg2[%dma_wait3A_29, %dma_wait3A_30] : memref<11024x128xf32, #tpu.memory_space<hbm>> -> memref<11024x128xf32, #tpu.memory_space<hbm>>
    tpu.wait_indirect_dma semaphore(%arg10 : memref<!tpu.dma_semaphore, #tpu.memory_space<semaphore_mem>>) src(%dma_wait3A_31 : memref<11024x128xf32, #tpu.memory_space<hbm>>) dst(%arg8 : memref<432x128xf32, #tpu.memory_space<vmem>>)
    %add3A_32 = arith.constant 432 : i32
    %add3A_33 = arith.addi %mul3A_2, %add3A_32 : i32
    %dma_start3A_34 = arith.constant 0 : i32
    %dma_start3A_35 = tpu.memref_slice %arg4[%add3A_33, %dma_start3A_34] : memref<193536x128xf32, #tpu.memory_space<hbm>> -> memref<432x128xf32, #tpu.memory_space<hbm>>
    %dma_start3A_36 = arith.constant 0 : i32
    %dma_start3A_37 = tpu.memref_slice %arg4[%add3A_33, %dma_start3A_36] : memref<193536x128xf32, #tpu.memory_space<hbm>> -> memref<432x128xf32, #tpu.memory_space<hbm>>
    tpu.enqueue_dma source(%arg8 : memref<432x128xf32, #tpu.memory_space<vmem>>) target(%dma_start3A_37 : memref<432x128xf32, #tpu.memory_space<hbm>>) target_semaphore(%arg12 : memref<!tpu.dma_semaphore, #tpu.memory_space<semaphore_mem>>)
    %dma_wait3A_38 = arith.constant 0 : i32
    %dma_wait3A_39 = tpu.memref_slice %arg4[%add3A_33, %dma_wait3A_38] : memref<193536x128xf32, #tpu.memory_space<hbm>> -> memref<432x128xf32, #tpu.memory_space<hbm>>
    %dma_wait3A_40 = arith.constant 0 : i32
    %dma_wait3A_41 = tpu.memref_slice %arg4[%add3A_33, %dma_wait3A_40] : memref<193536x128xf32, #tpu.memory_space<hbm>> -> memref<432x128xf32, #tpu.memory_space<hbm>>
    tpu.wait_dma2 semaphore(%arg12 : memref<!tpu.dma_semaphore, #tpu.memory_space<semaphore_mem>>) src(%arg8 : memref<432x128xf32, #tpu.memory_space<vmem>>) dst(%dma_wait3A_41 : memref<432x128xf32, #tpu.memory_space<hbm>>)
    %add3A_42 = arith.constant 1296 : i32
    %add3A_43 = arith.addi %mul3A_2, %add3A_42 : i32
    "tpu.region"() ({
      %run_scoped3A = tpu.sem_alloc : memref<!tpu.dma_semaphore, #tpu.memory_space<semaphore_mem>>
      %dma_start3A_253 = tpu.memref_slice %arg3[%add3A_43] : memref<193536xi32, #tpu.memory_space<hbm>> -> memref<432xi32, #tpu.memory_space<hbm>>
      %dma_start3A_254 = tpu.memref_slice %arg3[%add3A_43] : memref<193536xi32, #tpu.memory_space<hbm>> -> memref<432xi32, #tpu.memory_space<hbm>>
      tpu.enqueue_dma source(%dma_start3A_254 : memref<432xi32, #tpu.memory_space<hbm>>) target(%arg6 : memref<432xi32, #tpu.memory_space<vmem>>) target_semaphore(%run_scoped3A : memref<!tpu.dma_semaphore, #tpu.memory_space<semaphore_mem>>)
      %dma_wait3A_255 = tpu.memref_slice %arg3[%add3A_43] : memref<193536xi32, #tpu.memory_space<hbm>> -> memref<432xi32, #tpu.memory_space<hbm>>
      %dma_wait3A_256 = tpu.memref_slice %arg3[%add3A_43] : memref<193536xi32, #tpu.memory_space<hbm>> -> memref<432xi32, #tpu.memory_space<hbm>>
      tpu.wait_dma2 semaphore(%run_scoped3A : memref<!tpu.dma_semaphore, #tpu.memory_space<semaphore_mem>>) src(%dma_wait3A_256 : memref<432xi32, #tpu.memory_space<hbm>>) dst(%arg6 : memref<432xi32, #tpu.memory_space<vmem>>)
      tpu.yield
    }) : () -> ()
    %dma_start3A_44 = arith.constant 0 : i32
    %dma_start3A_45 = arith.constant 0 : i32
    %dma_start3A_46 = tpu.memref_slice %arg2[%dma_start3A_44, %dma_start3A_45] : memref<11024x128xf32, #tpu.memory_space<hbm>> -> memref<11024x128xf32, #tpu.memory_space<hbm>>
    tpu.enqueue_indirect_dma source(%dma_start3A_46 : memref<11024x128xf32, #tpu.memory_space<hbm>>) target(%arg8 : memref<432x128xf32, #tpu.memory_space<vmem>>) offsets(%arg6 : memref<432xi32, #tpu.memory_space<vmem>>) semaphore(%arg10 : memref<!tpu.dma_semaphore, #tpu.memory_space<semaphore_mem>>)
    %dma_wait3A_47 = arith.constant 0 : i32
    %dma_wait3A_48 = arith.constant 0 : i32
    %dma_wait3A_49 = tpu.memref_slice %arg2[%dma_wait3A_47, %dma_wait3A_48] : memref<11024x128xf32, #tpu.memory_space<hbm>> -> memref<11024x128xf32, #tpu.memory_space<hbm>>
    tpu.wait_indirect_dma semaphore(%arg9 : memref<!tpu.dma_semaphore, #tpu.memory_space<semaphore_mem>>) src(%dma_wait3A_49 : memref<11024x128xf32, #tpu.memory_space<hbm>>) dst(%arg7 : memref<432x128xf32, #tpu.memory_space<vmem>>)
    %add3A_50 = arith.constant 864 : i32
    %add3A_51 = arith.addi %mul3A_2, %add3A_50 : i32
    %dma_start3A_52 = arith.constant 0 : i32
    %dma_start3A_53 = tpu.memref_slice %arg4[%add3A_51, %dma_start3A_52] : memref<193536x128xf32, #tpu.memory_space<hbm>> -> memref<432x128xf32, #tpu.memory_space<hbm>>
    %dma_start3A_54 = arith.constant 0 : i32
    %dma_start3A_55 = tpu.memref_slice %arg4[%add3A_51, %dma_start3A_54] : memref<193536x128xf32, #tpu.memory_space<hbm>> -> memref<432x128xf32, #tpu.memory_space<hbm>>
    tpu.enqueue_dma source(%arg7 : memref<432x128xf32, #tpu.memory_space<vmem>>) target(%dma_start3A_55 : memref<432x128xf32, #tpu.memory_space<hbm>>) target_semaphore(%arg11 : memref<!tpu.dma_semaphore, #tpu.memory_space<semaphore_mem>>)
    %dma_wait3A_56 = arith.constant 0 : i32
    %dma_wait3A_57 = tpu.memref_slice %arg4[%add3A_51, %dma_wait3A_56] : memref<193536x128xf32, #tpu.memory_space<hbm>> -> memref<432x128xf32, #tpu.memory_space<hbm>>
    %dma_wait3A_58 = arith.constant 0 : i32
    %dma_wait3A_59 = tpu.memref_slice %arg4[%add3A_51, %dma_wait3A_58] : memref<193536x128xf32, #tpu.memory_space<hbm>> -> memref<432x128xf32, #tpu.memory_space<hbm>>
    tpu.wait_dma2 semaphore(%arg11 : memref<!tpu.dma_semaphore, #tpu.memory_space<semaphore_mem>>) src(%arg7 : memref<432x128xf32, #tpu.memory_space<vmem>>) dst(%dma_wait3A_59 : memref<432x128xf32, #tpu.memory_space<hbm>>)
    %add3A_60 = arith.constant 1728 : i32
    %add3A_61 = arith.addi %mul3A_2, %add3A_60 : i32
    "tpu.region"() ({
      %run_scoped3A = tpu.sem_alloc : memref<!tpu.dma_semaphore, #tpu.memory_space<semaphore_mem>>
      %dma_start3A_253 = tpu.memref_slice %arg3[%add3A_61] : memref<193536xi32, #tpu.memory_space<hbm>> -> memref<432xi32, #tpu.memory_space<hbm>>
      %dma_start3A_254 = tpu.memref_slice %arg3[%add3A_61] : memref<193536xi32, #tpu.memory_space<hbm>> -> memref<432xi32, #tpu.memory_space<hbm>>
      tpu.enqueue_dma source(%dma_start3A_254 : memref<432xi32, #tpu.memory_space<hbm>>) target(%arg5 : memref<432xi32, #tpu.memory_space<vmem>>) target_semaphore(%run_scoped3A : memref<!tpu.dma_semaphore, #tpu.memory_space<semaphore_mem>>)
      %dma_wait3A_255 = tpu.memref_slice %arg3[%add3A_61] : memref<193536xi32, #tpu.memory_space<hbm>> -> memref<432xi32, #tpu.memory_space<hbm>>
      %dma_wait3A_256 = tpu.memref_slice %arg3[%add3A_61] : memref<193536xi32, #tpu.memory_space<hbm>> -> memref<432xi32, #tpu.memory_space<hbm>>
      tpu.wait_dma2 semaphore(%run_scoped3A : memref<!tpu.dma_semaphore, #tpu.memory_space<semaphore_mem>>) src(%dma_wait3A_256 : memref<432xi32, #tpu.memory_space<hbm>>) dst(%arg5 : memref<432xi32, #tpu.memory_space<vmem>>)
      tpu.yield
    }) : () -> ()
    %dma_start3A_62 = arith.constant 0 : i32
    %dma_start3A_63 = arith.constant 0 : i32
    %dma_start3A_64 = tpu.memref_slice %arg2[%dma_start3A_62, %dma_start3A_63] : memref<11024x128xf32, #tpu.memory_space<hbm>> -> memref<11024x128xf32, #tpu.memory_space<hbm>>
    tpu.enqueue_indirect_dma source(%dma_start3A_64 : memref<11024x128xf32, #tpu.memory_space<hbm>>) target(%arg7 : memref<432x128xf32, #tpu.memory_space<vmem>>) offsets(%arg5 : memref<432xi32, #tpu.memory_space<vmem>>) semaphore(%arg9 : memref<!tpu.dma_semaphore, #tpu.memory_space<semaphore_mem>>)
    %dma_wait3A_65 = arith.constant 0 : i32
    %dma_wait3A_66 = arith.constant 0 : i32
    %dma_wait3A_67 = tpu.memref_slice %arg2[%dma_wait3A_65, %dma_wait3A_66] : memref<11024x128xf32, #tpu.memory_space<hbm>> -> memref<11024x128xf32, #tpu.memory_space<hbm>>
    tpu.wait_indirect_dma semaphore(%arg10 : memref<!tpu.dma_semaphore, #tpu.memory_space<semaphore_mem>>) src(%dma_wait3A_67 : memref<11024x128xf32, #tpu.memory_space<hbm>>) dst(%arg8 : memref<432x128xf32, #tpu.memory_space<vmem>>)
    %add3A_68 = arith.constant 1296 : i32
    %add3A_69 = arith.addi %mul3A_2, %add3A_68 : i32
    %dma_start3A_70 = arith.constant 0 : i32
    %dma_start3A_71 = tpu.memref_slice %arg4[%add3A_69, %dma_start3A_70] : memref<193536x128xf32, #tpu.memory_space<hbm>> -> memref<432x128xf32, #tpu.memory_space<hbm>>
    %dma_start3A_72 = arith.constant 0 : i32
    %dma_start3A_73 = tpu.memref_slice %arg4[%add3A_69, %dma_start3A_72] : memref<193536x128xf32, #tpu.memory_space<hbm>> -> memref<432x128xf32, #tpu.memory_space<hbm>>
    tpu.enqueue_dma source(%arg8 : memref<432x128xf32, #tpu.memory_space<vmem>>) target(%dma_start3A_73 : memref<432x128xf32, #tpu.memory_space<hbm>>) target_semaphore(%arg12 : memref<!tpu.dma_semaphore, #tpu.memory_space<semaphore_mem>>)
    %dma_wait3A_74 = arith.constant 0 : i32
    %dma_wait3A_75 = tpu.memref_slice %arg4[%add3A_69, %dma_wait3A_74] : memref<193536x128xf32, #tpu.memory_space<hbm>> -> memref<432x128xf32, #tpu.memory_space<hbm>>
    %dma_wait3A_76 = arith.constant 0 : i32
    %dma_wait3A_77 = tpu.memref_slice %arg4[%add3A_69, %dma_wait3A_76] : memref<193536x128xf32, #tpu.memory_space<hbm>> -> memref<432x128xf32, #tpu.memory_space<hbm>>
    tpu.wait_dma2 semaphore(%arg12 : memref<!tpu.dma_semaphore, #tpu.memory_space<semaphore_mem>>) src(%arg8 : memref<432x128xf32, #tpu.memory_space<vmem>>) dst(%dma_wait3A_77 : memref<432x128xf32, #tpu.memory_space<hbm>>)
    %add3A_78 = arith.constant 2160 : i32
    %add3A_79 = arith.addi %mul3A_2, %add3A_78 : i32
    "tpu.region"() ({
      %run_scoped3A = tpu.sem_alloc : memref<!tpu.dma_semaphore, #tpu.memory_space<semaphore_mem>>
      %dma_start3A_253 = tpu.memref_slice %arg3[%add3A_79] : memref<193536xi32, #tpu.memory_space<hbm>> -> memref<432xi32, #tpu.memory_space<hbm>>
      %dma_start3A_254 = tpu.memref_slice %arg3[%add3A_79] : memref<193536xi32, #tpu.memory_space<hbm>> -> memref<432xi32, #tpu.memory_space<hbm>>
      tpu.enqueue_dma source(%dma_start3A_254 : memref<432xi32, #tpu.memory_space<hbm>>) target(%arg6 : memref<432xi32, #tpu.memory_space<vmem>>) target_semaphore(%run_scoped3A : memref<!tpu.dma_semaphore, #tpu.memory_space<semaphore_mem>>)
      %dma_wait3A_255 = tpu.memref_slice %arg3[%add3A_79] : memref<193536xi32, #tpu.memory_space<hbm>> -> memref<432xi32, #tpu.memory_space<hbm>>
      %dma_wait3A_256 = tpu.memref_slice %arg3[%add3A_79] : memref<193536xi32, #tpu.memory_space<hbm>> -> memref<432xi32, #tpu.memory_space<hbm>>
      tpu.wait_dma2 semaphore(%run_scoped3A : memref<!tpu.dma_semaphore, #tpu.memory_space<semaphore_mem>>) src(%dma_wait3A_256 : memref<432xi32, #tpu.memory_space<hbm>>) dst(%arg6 : memref<432xi32, #tpu.memory_space<vmem>>)
      tpu.yield
    }) : () -> ()
    %dma_start3A_80 = arith.constant 0 : i32
    %dma_start3A_81 = arith.constant 0 : i32
    %dma_start3A_82 = tpu.memref_slice %arg2[%dma_start3A_80, %dma_start3A_81] : memref<11024x128xf32, #tpu.memory_space<hbm>> -> memref<11024x128xf32, #tpu.memory_space<hbm>>
    tpu.enqueue_indirect_dma source(%dma_start3A_82 : memref<11024x128xf32, #tpu.memory_space<hbm>>) target(%arg8 : memref<432x128xf32, #tpu.memory_space<vmem>>) offsets(%arg6 : memref<432xi32, #tpu.memory_space<vmem>>) semaphore(%arg10 : memref<!tpu.dma_semaphore, #tpu.memory_space<semaphore_mem>>)
    %dma_wait3A_83 = arith.constant 0 : i32
    %dma_wait3A_84 = arith.constant 0 : i32
    %dma_wait3A_85 = tpu.memref_slice %arg2[%dma_wait3A_83, %dma_wait3A_84] : memref<11024x128xf32, #tpu.memory_space<hbm>> -> memref<11024x128xf32, #tpu.memory_space<hbm>>
    tpu.wait_indirect_dma semaphore(%arg9 : memref<!tpu.dma_semaphore, #tpu.memory_space<semaphore_mem>>) src(%dma_wait3A_85 : memref<11024x128xf32, #tpu.memory_space<hbm>>) dst(%arg7 : memref<432x128xf32, #tpu.memory_space<vmem>>)
    %add3A_86 = arith.constant 1728 : i32
    %add3A_87 = arith.addi %mul3A_2, %add3A_86 : i32
    %dma_start3A_88 = arith.constant 0 : i32
    %dma_start3A_89 = tpu.memref_slice %arg4[%add3A_87, %dma_start3A_88] : memref<193536x128xf32, #tpu.memory_space<hbm>> -> memref<432x128xf32, #tpu.memory_space<hbm>>
    %dma_start3A_90 = arith.constant 0 : i32
    %dma_start3A_91 = tpu.memref_slice %arg4[%add3A_87, %dma_start3A_90] : memref<193536x128xf32, #tpu.memory_space<hbm>> -> memref<432x128xf32, #tpu.memory_space<hbm>>
    tpu.enqueue_dma source(%arg7 : memref<432x128xf32, #tpu.memory_space<vmem>>) target(%dma_start3A_91 : memref<432x128xf32, #tpu.memory_space<hbm>>) target_semaphore(%arg11 : memref<!tpu.dma_semaphore, #tpu.memory_space<semaphore_mem>>)
    %dma_wait3A_92 = arith.constant 0 : i32
    %dma_wait3A_93 = tpu.memref_slice %arg4[%add3A_87, %dma_wait3A_92] : memref<193536x128xf32, #tpu.memory_space<hbm>> -> memref<432x128xf32, #tpu.memory_space<hbm>>
    %dma_wait3A_94 = arith.constant 0 : i32
    %dma_wait3A_95 = tpu.memref_slice %arg4[%add3A_87, %dma_wait3A_94] : memref<193536x128xf32, #tpu.memory_space<hbm>> -> memref<432x128xf32, #tpu.memory_space<hbm>>
    tpu.wait_dma2 semaphore(%arg11 : memref<!tpu.dma_semaphore, #tpu.memory_space<semaphore_mem>>) src(%arg7 : memref<432x128xf32, #tpu.memory_space<vmem>>) dst(%dma_wait3A_95 : memref<432x128xf32, #tpu.memory_space<hbm>>)
    %add3A_96 = arith.constant 2592 : i32
    %add3A_97 = arith.addi %mul3A_2, %add3A_96 : i32
    "tpu.region"() ({
      %run_scoped3A = tpu.sem_alloc : memref<!tpu.dma_semaphore, #tpu.memory_space<semaphore_mem>>
      %dma_start3A_253 = tpu.memref_slice %arg3[%add3A_97] : memref<193536xi32, #tpu.memory_space<hbm>> -> memref<432xi32, #tpu.memory_space<hbm>>
      %dma_start3A_254 = tpu.memref_slice %arg3[%add3A_97] : memref<193536xi32, #tpu.memory_space<hbm>> -> memref<432xi32, #tpu.memory_space<hbm>>
      tpu.enqueue_dma source(%dma_start3A_254 : memref<432xi32, #tpu.memory_space<hbm>>) target(%arg5 : memref<432xi32, #tpu.memory_space<vmem>>) target_semaphore(%run_scoped3A : memref<!tpu.dma_semaphore, #tpu.memory_space<semaphore_mem>>)
      %dma_wait3A_255 = tpu.memref_slice %arg3[%add3A_97] : memref<193536xi32, #tpu.memory_space<hbm>> -> memref<432xi32, #tpu.memory_space<hbm>>
      %dma_wait3A_256 = tpu.memref_slice %arg3[%add3A_97] : memref<193536xi32, #tpu.memory_space<hbm>> -> memref<432xi32, #tpu.memory_space<hbm>>
      tpu.wait_dma2 semaphore(%run_scoped3A : memref<!tpu.dma_semaphore, #tpu.memory_space<semaphore_mem>>) src(%dma_wait3A_256 : memref<432xi32, #tpu.memory_space<hbm>>) dst(%arg5 : memref<432xi32, #tpu.memory_space<vmem>>)
      tpu.yield
    }) : () -> ()
    %dma_start3A_98 = arith.constant 0 : i32
    %dma_start3A_99 = arith.constant 0 : i32
    %dma_start3A_100 = tpu.memref_slice %arg2[%dma_start3A_98, %dma_start3A_99] : memref<11024x128xf32, #tpu.memory_space<hbm>> -> memref<11024x128xf32, #tpu.memory_space<hbm>>
    tpu.enqueue_indirect_dma source(%dma_start3A_100 : memref<11024x128xf32, #tpu.memory_space<hbm>>) target(%arg7 : memref<432x128xf32, #tpu.memory_space<vmem>>) offsets(%arg5 : memref<432xi32, #tpu.memory_space<vmem>>) semaphore(%arg9 : memref<!tpu.dma_semaphore, #tpu.memory_space<semaphore_mem>>)
    %dma_wait3A_101 = arith.constant 0 : i32
    %dma_wait3A_102 = arith.constant 0 : i32
    %dma_wait3A_103 = tpu.memref_slice %arg2[%dma_wait3A_101, %dma_wait3A_102] : memref<11024x128xf32, #tpu.memory_space<hbm>> -> memref<11024x128xf32, #tpu.memory_space<hbm>>
    tpu.wait_indirect_dma semaphore(%arg10 : memref<!tpu.dma_semaphore, #tpu.memory_space<semaphore_mem>>) src(%dma_wait3A_103 : memref<11024x128xf32, #tpu.memory_space<hbm>>) dst(%arg8 : memref<432x128xf32, #tpu.memory_space<vmem>>)
    %add3A_104 = arith.constant 2160 : i32
    %add3A_105 = arith.addi %mul3A_2, %add3A_104 : i32
    %dma_start3A_106 = arith.constant 0 : i32
    %dma_start3A_107 = tpu.memref_slice %arg4[%add3A_105, %dma_start3A_106] : memref<193536x128xf32, #tpu.memory_space<hbm>> -> memref<432x128xf32, #tpu.memory_space<hbm>>
    %dma_start3A_108 = arith.constant 0 : i32
    %dma_start3A_109 = tpu.memref_slice %arg4[%add3A_105, %dma_start3A_108] : memref<193536x128xf32, #tpu.memory_space<hbm>> -> memref<432x128xf32, #tpu.memory_space<hbm>>
    tpu.enqueue_dma source(%arg8 : memref<432x128xf32, #tpu.memory_space<vmem>>) target(%dma_start3A_109 : memref<432x128xf32, #tpu.memory_space<hbm>>) target_semaphore(%arg12 : memref<!tpu.dma_semaphore, #tpu.memory_space<semaphore_mem>>)
    %dma_wait3A_110 = arith.constant 0 : i32
    %dma_wait3A_111 = tpu.memref_slice %arg4[%add3A_105, %dma_wait3A_110] : memref<193536x128xf32, #tpu.memory_space<hbm>> -> memref<432x128xf32, #tpu.memory_space<hbm>>
    %dma_wait3A_112 = arith.constant 0 : i32
    %dma_wait3A_113 = tpu.memref_slice %arg4[%add3A_105, %dma_wait3A_112] : memref<193536x128xf32, #tpu.memory_space<hbm>> -> memref<432x128xf32, #tpu.memory_space<hbm>>
    tpu.wait_dma2 semaphore(%arg12 : memref<!tpu.dma_semaphore, #tpu.memory_space<semaphore_mem>>) src(%arg8 : memref<432x128xf32, #tpu.memory_space<vmem>>) dst(%dma_wait3A_113 : memref<432x128xf32, #tpu.memory_space<hbm>>)
    %add3A_114 = arith.constant 3024 : i32
    %add3A_115 = arith.addi %mul3A_2, %add3A_114 : i32
    "tpu.region"() ({
      %run_scoped3A = tpu.sem_alloc : memref<!tpu.dma_semaphore, #tpu.memory_space<semaphore_mem>>
      %dma_start3A_253 = tpu.memref_slice %arg3[%add3A_115] : memref<193536xi32, #tpu.memory_space<hbm>> -> memref<432xi32, #tpu.memory_space<hbm>>
      %dma_start3A_254 = tpu.memref_slice %arg3[%add3A_115] : memref<193536xi32, #tpu.memory_space<hbm>> -> memref<432xi32, #tpu.memory_space<hbm>>
      tpu.enqueue_dma source(%dma_start3A_254 : memref<432xi32, #tpu.memory_space<hbm>>) target(%arg6 : memref<432xi32, #tpu.memory_space<vmem>>) target_semaphore(%run_scoped3A : memref<!tpu.dma_semaphore, #tpu.memory_space<semaphore_mem>>)
      %dma_wait3A_255 = tpu.memref_slice %arg3[%add3A_115] : memref<193536xi32, #tpu.memory_space<hbm>> -> memref<432xi32, #tpu.memory_space<hbm>>
      %dma_wait3A_256 = tpu.memref_slice %arg3[%add3A_115] : memref<193536xi32, #tpu.memory_space<hbm>> -> memref<432xi32, #tpu.memory_space<hbm>>
      tpu.wait_dma2 semaphore(%run_scoped3A : memref<!tpu.dma_semaphore, #tpu.memory_space<semaphore_mem>>) src(%dma_wait3A_256 : memref<432xi32, #tpu.memory_space<hbm>>) dst(%arg6 : memref<432xi32, #tpu.memory_space<vmem>>)
      tpu.yield
    }) : () -> ()
    %dma_start3A_116 = arith.constant 0 : i32
    %dma_start3A_117 = arith.constant 0 : i32
    %dma_start3A_118 = tpu.memref_slice %arg2[%dma_start3A_116, %dma_start3A_117] : memref<11024x128xf32, #tpu.memory_space<hbm>> -> memref<11024x128xf32, #tpu.memory_space<hbm>>
    tpu.enqueue_indirect_dma source(%dma_start3A_118 : memref<11024x128xf32, #tpu.memory_space<hbm>>) target(%arg8 : memref<432x128xf32, #tpu.memory_space<vmem>>) offsets(%arg6 : memref<432xi32, #tpu.memory_space<vmem>>) semaphore(%arg10 : memref<!tpu.dma_semaphore, #tpu.memory_space<semaphore_mem>>)
    %dma_wait3A_119 = arith.constant 0 : i32
    %dma_wait3A_120 = arith.constant 0 : i32
    %dma_wait3A_121 = tpu.memref_slice %arg2[%dma_wait3A_119, %dma_wait3A_120] : memref<11024x128xf32, #tpu.memory_space<hbm>> -> memref<11024x128xf32, #tpu.memory_space<hbm>>
    tpu.wait_indirect_dma semaphore(%arg9 : memref<!tpu.dma_semaphore, #tpu.memory_space<semaphore_mem>>) src(%dma_wait3A_121 : memref<11024x128xf32, #tpu.memory_space<hbm>>) dst(%arg7 : memref<432x128xf32, #tpu.memory_space<vmem>>)
    %add3A_122 = arith.constant 2592 : i32
    %add3A_123 = arith.addi %mul3A_2, %add3A_122 : i32
    %dma_start3A_124 = arith.constant 0 : i32
    %dma_start3A_125 = tpu.memref_slice %arg4[%add3A_123, %dma_start3A_124] : memref<193536x128xf32, #tpu.memory_space<hbm>> -> memref<432x128xf32, #tpu.memory_space<hbm>>
    %dma_start3A_126 = arith.constant 0 : i32
    %dma_start3A_127 = tpu.memref_slice %arg4[%add3A_123, %dma_start3A_126] : memref<193536x128xf32, #tpu.memory_space<hbm>> -> memref<432x128xf32, #tpu.memory_space<hbm>>
    tpu.enqueue_dma source(%arg7 : memref<432x128xf32, #tpu.memory_space<vmem>>) target(%dma_start3A_127 : memref<432x128xf32, #tpu.memory_space<hbm>>) target_semaphore(%arg11 : memref<!tpu.dma_semaphore, #tpu.memory_space<semaphore_mem>>)
    %dma_wait3A_128 = arith.constant 0 : i32
    %dma_wait3A_129 = tpu.memref_slice %arg4[%add3A_123, %dma_wait3A_128] : memref<193536x128xf32, #tpu.memory_space<hbm>> -> memref<432x128xf32, #tpu.memory_space<hbm>>
    %dma_wait3A_130 = arith.constant 0 : i32
    %dma_wait3A_131 = tpu.memref_slice %arg4[%add3A_123, %dma_wait3A_130] : memref<193536x128xf32, #tpu.memory_space<hbm>> -> memref<432x128xf32, #tpu.memory_space<hbm>>
    tpu.wait_dma2 semaphore(%arg11 : memref<!tpu.dma_semaphore, #tpu.memory_space<semaphore_mem>>) src(%arg7 : memref<432x128xf32, #tpu.memory_space<vmem>>) dst(%dma_wait3A_131 : memref<432x128xf32, #tpu.memory_space<hbm>>)
    %add3A_132 = arith.constant 3456 : i32
    %add3A_133 = arith.addi %mul3A_2, %add3A_132 : i32
    "tpu.region"() ({
      %run_scoped3A = tpu.sem_alloc : memref<!tpu.dma_semaphore, #tpu.memory_space<semaphore_mem>>
      %dma_start3A_253 = tpu.memref_slice %arg3[%add3A_133] : memref<193536xi32, #tpu.memory_space<hbm>> -> memref<432xi32, #tpu.memory_space<hbm>>
      %dma_start3A_254 = tpu.memref_slice %arg3[%add3A_133] : memref<193536xi32, #tpu.memory_space<hbm>> -> memref<432xi32, #tpu.memory_space<hbm>>
      tpu.enqueue_dma source(%dma_start3A_254 : memref<432xi32, #tpu.memory_space<hbm>>) target(%arg5 : memref<432xi32, #tpu.memory_space<vmem>>) target_semaphore(%run_scoped3A : memref<!tpu.dma_semaphore, #tpu.memory_space<semaphore_mem>>)
      %dma_wait3A_255 = tpu.memref_slice %arg3[%add3A_133] : memref<193536xi32, #tpu.memory_space<hbm>> -> memref<432xi32, #tpu.memory_space<hbm>>
      %dma_wait3A_256 = tpu.memref_slice %arg3[%add3A_133] : memref<193536xi32, #tpu.memory_space<hbm>> -> memref<432xi32, #tpu.memory_space<hbm>>
      tpu.wait_dma2 semaphore(%run_scoped3A : memref<!tpu.dma_semaphore, #tpu.memory_space<semaphore_mem>>) src(%dma_wait3A_256 : memref<432xi32, #tpu.memory_space<hbm>>) dst(%arg5 : memref<432xi32, #tpu.memory_space<vmem>>)
      tpu.yield
    }) : () -> ()
    %dma_start3A_134 = arith.constant 0 : i32
    %dma_start3A_135 = arith.constant 0 : i32
    %dma_start3A_136 = tpu.memref_slice %arg2[%dma_start3A_134, %dma_start3A_135] : memref<11024x128xf32, #tpu.memory_space<hbm>> -> memref<11024x128xf32, #tpu.memory_space<hbm>>
    tpu.enqueue_indirect_dma source(%dma_start3A_136 : memref<11024x128xf32, #tpu.memory_space<hbm>>) target(%arg7 : memref<432x128xf32, #tpu.memory_space<vmem>>) offsets(%arg5 : memref<432xi32, #tpu.memory_space<vmem>>) semaphore(%arg9 : memref<!tpu.dma_semaphore, #tpu.memory_space<semaphore_mem>>)
    %dma_wait3A_137 = arith.constant 0 : i32
    %dma_wait3A_138 = arith.constant 0 : i32
    %dma_wait3A_139 = tpu.memref_slice %arg2[%dma_wait3A_137, %dma_wait3A_138] : memref<11024x128xf32, #tpu.memory_space<hbm>> -> memref<11024x128xf32, #tpu.memory_space<hbm>>
    tpu.wait_indirect_dma semaphore(%arg10 : memref<!tpu.dma_semaphore, #tpu.memory_space<semaphore_mem>>) src(%dma_wait3A_139 : memref<11024x128xf32, #tpu.memory_space<hbm>>) dst(%arg8 : memref<432x128xf32, #tpu.memory_space<vmem>>)
    %add3A_140 = arith.constant 3024 : i32
    %add3A_141 = arith.addi %mul3A_2, %add3A_140 : i32
    %dma_start3A_142 = arith.constant 0 : i32
    %dma_start3A_143 = tpu.memref_slice %arg4[%add3A_141, %dma_start3A_142] : memref<193536x128xf32, #tpu.memory_space<hbm>> -> memref<432x128xf32, #tpu.memory_space<hbm>>
    %dma_start3A_144 = arith.constant 0 : i32
    %dma_start3A_145 = tpu.memref_slice %arg4[%add3A_141, %dma_start3A_144] : memref<193536x128xf32, #tpu.memory_space<hbm>> -> memref<432x128xf32, #tpu.memory_space<hbm>>
    tpu.enqueue_dma source(%arg8 : memref<432x128xf32, #tpu.memory_space<vmem>>) target(%dma_start3A_145 : memref<432x128xf32, #tpu.memory_space<hbm>>) target_semaphore(%arg12 : memref<!tpu.dma_semaphore, #tpu.memory_space<semaphore_mem>>)
    %dma_wait3A_146 = arith.constant 0 : i32
    %dma_wait3A_147 = tpu.memref_slice %arg4[%add3A_141, %dma_wait3A_146] : memref<193536x128xf32, #tpu.memory_space<hbm>> -> memref<432x128xf32, #tpu.memory_space<hbm>>
    %dma_wait3A_148 = arith.constant 0 : i32
    %dma_wait3A_149 = tpu.memref_slice %arg4[%add3A_141, %dma_wait3A_148] : memref<193536x128xf32, #tpu.memory_space<hbm>> -> memref<432x128xf32, #tpu.memory_space<hbm>>
    tpu.wait_dma2 semaphore(%arg12 : memref<!tpu.dma_semaphore, #tpu.memory_space<semaphore_mem>>) src(%arg8 : memref<432x128xf32, #tpu.memory_space<vmem>>) dst(%dma_wait3A_149 : memref<432x128xf32, #tpu.memory_space<hbm>>)
    %add3A_150 = arith.constant 3888 : i32
    %add3A_151 = arith.addi %mul3A_2, %add3A_150 : i32
    "tpu.region"() ({
      %run_scoped3A = tpu.sem_alloc : memref<!tpu.dma_semaphore, #tpu.memory_space<semaphore_mem>>
      %dma_start3A_253 = tpu.memref_slice %arg3[%add3A_151] : memref<193536xi32, #tpu.memory_space<hbm>> -> memref<432xi32, #tpu.memory_space<hbm>>
      %dma_start3A_254 = tpu.memref_slice %arg3[%add3A_151] : memref<193536xi32, #tpu.memory_space<hbm>> -> memref<432xi32, #tpu.memory_space<hbm>>
      tpu.enqueue_dma source(%dma_start3A_254 : memref<432xi32, #tpu.memory_space<hbm>>) target(%arg6 : memref<432xi32, #tpu.memory_space<vmem>>) target_semaphore(%run_scoped3A : memref<!tpu.dma_semaphore, #tpu.memory_space<semaphore_mem>>)
      %dma_wait3A_255 = tpu.memref_slice %arg3[%add3A_151] : memref<193536xi32, #tpu.memory_space<hbm>> -> memref<432xi32, #tpu.memory_space<hbm>>
      %dma_wait3A_256 = tpu.memref_slice %arg3[%add3A_151] : memref<193536xi32, #tpu.memory_space<hbm>> -> memref<432xi32, #tpu.memory_space<hbm>>
      tpu.wait_dma2 semaphore(%run_scoped3A : memref<!tpu.dma_semaphore, #tpu.memory_space<semaphore_mem>>) src(%dma_wait3A_256 : memref<432xi32, #tpu.memory_space<hbm>>) dst(%arg6 : memref<432xi32, #tpu.memory_space<vmem>>)
      tpu.yield
    }) : () -> ()
    %dma_start3A_152 = arith.constant 0 : i32
    %dma_start3A_153 = arith.constant 0 : i32
    %dma_start3A_154 = tpu.memref_slice %arg2[%dma_start3A_152, %dma_start3A_153] : memref<11024x128xf32, #tpu.memory_space<hbm>> -> memref<11024x128xf32, #tpu.memory_space<hbm>>
    tpu.enqueue_indirect_dma source(%dma_start3A_154 : memref<11024x128xf32, #tpu.memory_space<hbm>>) target(%arg8 : memref<432x128xf32, #tpu.memory_space<vmem>>) offsets(%arg6 : memref<432xi32, #tpu.memory_space<vmem>>) semaphore(%arg10 : memref<!tpu.dma_semaphore, #tpu.memory_space<semaphore_mem>>)
    %dma_wait3A_155 = arith.constant 0 : i32
    %dma_wait3A_156 = arith.constant 0 : i32
    %dma_wait3A_157 = tpu.memref_slice %arg2[%dma_wait3A_155, %dma_wait3A_156] : memref<11024x128xf32, #tpu.memory_space<hbm>> -> memref<11024x128xf32, #tpu.memory_space<hbm>>
    tpu.wait_indirect_dma semaphore(%arg9 : memref<!tpu.dma_semaphore, #tpu.memory_space<semaphore_mem>>) src(%dma_wait3A_157 : memref<11024x128xf32, #tpu.memory_space<hbm>>) dst(%arg7 : memref<432x128xf32, #tpu.memory_space<vmem>>)
    %add3A_158 = arith.constant 3456 : i32
    %add3A_159 = arith.addi %mul3A_2, %add3A_158 : i32
    %dma_start3A_160 = arith.constant 0 : i32
    %dma_start3A_161 = tpu.memref_slice %arg4[%add3A_159, %dma_start3A_160] : memref<193536x128xf32, #tpu.memory_space<hbm>> -> memref<432x128xf32, #tpu.memory_space<hbm>>
    %dma_start3A_162 = arith.constant 0 : i32
    %dma_start3A_163 = tpu.memref_slice %arg4[%add3A_159, %dma_start3A_162] : memref<193536x128xf32, #tpu.memory_space<hbm>> -> memref<432x128xf32, #tpu.memory_space<hbm>>
    tpu.enqueue_dma source(%arg7 : memref<432x128xf32, #tpu.memory_space<vmem>>) target(%dma_start3A_163 : memref<432x128xf32, #tpu.memory_space<hbm>>) target_semaphore(%arg11 : memref<!tpu.dma_semaphore, #tpu.memory_space<semaphore_mem>>)
    %dma_wait3A_164 = arith.constant 0 : i32
    %dma_wait3A_165 = tpu.memref_slice %arg4[%add3A_159, %dma_wait3A_164] : memref<193536x128xf32, #tpu.memory_space<hbm>> -> memref<432x128xf32, #tpu.memory_space<hbm>>
    %dma_wait3A_166 = arith.constant 0 : i32
    %dma_wait3A_167 = tpu.memref_slice %arg4[%add3A_159, %dma_wait3A_166] : memref<193536x128xf32, #tpu.memory_space<hbm>> -> memref<432x128xf32, #tpu.memory_space<hbm>>
    tpu.wait_dma2 semaphore(%arg11 : memref<!tpu.dma_semaphore, #tpu.memory_space<semaphore_mem>>) src(%arg7 : memref<432x128xf32, #tpu.memory_space<vmem>>) dst(%dma_wait3A_167 : memref<432x128xf32, #tpu.memory_space<hbm>>)
    %add3A_168 = arith.constant 4320 : i32
    %add3A_169 = arith.addi %mul3A_2, %add3A_168 : i32
    "tpu.region"() ({
      %run_scoped3A = tpu.sem_alloc : memref<!tpu.dma_semaphore, #tpu.memory_space<semaphore_mem>>
      %dma_start3A_253 = tpu.memref_slice %arg3[%add3A_169] : memref<193536xi32, #tpu.memory_space<hbm>> -> memref<432xi32, #tpu.memory_space<hbm>>
      %dma_start3A_254 = tpu.memref_slice %arg3[%add3A_169] : memref<193536xi32, #tpu.memory_space<hbm>> -> memref<432xi32, #tpu.memory_space<hbm>>
      tpu.enqueue_dma source(%dma_start3A_254 : memref<432xi32, #tpu.memory_space<hbm>>) target(%arg5 : memref<432xi32, #tpu.memory_space<vmem>>) target_semaphore(%run_scoped3A : memref<!tpu.dma_semaphore, #tpu.memory_space<semaphore_mem>>)
      %dma_wait3A_255 = tpu.memref_slice %arg3[%add3A_169] : memref<193536xi32, #tpu.memory_space<hbm>> -> memref<432xi32, #tpu.memory_space<hbm>>
      %dma_wait3A_256 = tpu.memref_slice %arg3[%add3A_169] : memref<193536xi32, #tpu.memory_space<hbm>> -> memref<432xi32, #tpu.memory_space<hbm>>
      tpu.wait_dma2 semaphore(%run_scoped3A : memref<!tpu.dma_semaphore, #tpu.memory_space<semaphore_mem>>) src(%dma_wait3A_256 : memref<432xi32, #tpu.memory_space<hbm>>) dst(%arg5 : memref<432xi32, #tpu.memory_space<vmem>>)
      tpu.yield
    }) : () -> ()
    %dma_start3A_170 = arith.constant 0 : i32
    %dma_start3A_171 = arith.constant 0 : i32
    %dma_start3A_172 = tpu.memref_slice %arg2[%dma_start3A_170, %dma_start3A_171] : memref<11024x128xf32, #tpu.memory_space<hbm>> -> memref<11024x128xf32, #tpu.memory_space<hbm>>
    tpu.enqueue_indirect_dma source(%dma_start3A_172 : memref<11024x128xf32, #tpu.memory_space<hbm>>) target(%arg7 : memref<432x128xf32, #tpu.memory_space<vmem>>) offsets(%arg5 : memref<432xi32, #tpu.memory_space<vmem>>) semaphore(%arg9 : memref<!tpu.dma_semaphore, #tpu.memory_space<semaphore_mem>>)
    %dma_wait3A_173 = arith.constant 0 : i32
    %dma_wait3A_174 = arith.constant 0 : i32
    %dma_wait3A_175 = tpu.memref_slice %arg2[%dma_wait3A_173, %dma_wait3A_174] : memref<11024x128xf32, #tpu.memory_space<hbm>> -> memref<11024x128xf32, #tpu.memory_space<hbm>>
    tpu.wait_indirect_dma semaphore(%arg10 : memref<!tpu.dma_semaphore, #tpu.memory_space<semaphore_mem>>) src(%dma_wait3A_175 : memref<11024x128xf32, #tpu.memory_space<hbm>>) dst(%arg8 : memref<432x128xf32, #tpu.memory_space<vmem>>)
    %add3A_176 = arith.constant 3888 : i32
    %add3A_177 = arith.addi %mul3A_2, %add3A_176 : i32
    %dma_start3A_178 = arith.constant 0 : i32
    %dma_start3A_179 = tpu.memref_slice %arg4[%add3A_177, %dma_start3A_178] : memref<193536x128xf32, #tpu.memory_space<hbm>> -> memref<432x128xf32, #tpu.memory_space<hbm>>
    %dma_start3A_180 = arith.constant 0 : i32
    %dma_start3A_181 = tpu.memref_slice %arg4[%add3A_177, %dma_start3A_180] : memref<193536x128xf32, #tpu.memory_space<hbm>> -> memref<432x128xf32, #tpu.memory_space<hbm>>
    tpu.enqueue_dma source(%arg8 : memref<432x128xf32, #tpu.memory_space<vmem>>) target(%dma_start3A_181 : memref<432x128xf32, #tpu.memory_space<hbm>>) target_semaphore(%arg12 : memref<!tpu.dma_semaphore, #tpu.memory_space<semaphore_mem>>)
    %dma_wait3A_182 = arith.constant 0 : i32
    %dma_wait3A_183 = tpu.memref_slice %arg4[%add3A_177, %dma_wait3A_182] : memref<193536x128xf32, #tpu.memory_space<hbm>> -> memref<432x128xf32, #tpu.memory_space<hbm>>
    %dma_wait3A_184 = arith.constant 0 : i32
    %dma_wait3A_185 = tpu.memref_slice %arg4[%add3A_177, %dma_wait3A_184] : memref<193536x128xf32, #tpu.memory_space<hbm>> -> memref<432x128xf32, #tpu.memory_space<hbm>>
    tpu.wait_dma2 semaphore(%arg12 : memref<!tpu.dma_semaphore, #tpu.memory_space<semaphore_mem>>) src(%arg8 : memref<432x128xf32, #tpu.memory_space<vmem>>) dst(%dma_wait3A_185 : memref<432x128xf32, #tpu.memory_space<hbm>>)
    %add3A_186 = arith.constant 4752 : i32
    %add3A_187 = arith.addi %mul3A_2, %add3A_186 : i32
    "tpu.region"() ({
      %run_scoped3A = tpu.sem_alloc : memref<!tpu.dma_semaphore, #tpu.memory_space<semaphore_mem>>
      %dma_start3A_253 = tpu.memref_slice %arg3[%add3A_187] : memref<193536xi32, #tpu.memory_space<hbm>> -> memref<432xi32, #tpu.memory_space<hbm>>
      %dma_start3A_254 = tpu.memref_slice %arg3[%add3A_187] : memref<193536xi32, #tpu.memory_space<hbm>> -> memref<432xi32, #tpu.memory_space<hbm>>
      tpu.enqueue_dma source(%dma_start3A_254 : memref<432xi32, #tpu.memory_space<hbm>>) target(%arg6 : memref<432xi32, #tpu.memory_space<vmem>>) target_semaphore(%run_scoped3A : memref<!tpu.dma_semaphore, #tpu.memory_space<semaphore_mem>>)
      %dma_wait3A_255 = tpu.memref_slice %arg3[%add3A_187] : memref<193536xi32, #tpu.memory_space<hbm>> -> memref<432xi32, #tpu.memory_space<hbm>>
      %dma_wait3A_256 = tpu.memref_slice %arg3[%add3A_187] : memref<193536xi32, #tpu.memory_space<hbm>> -> memref<432xi32, #tpu.memory_space<hbm>>
      tpu.wait_dma2 semaphore(%run_scoped3A : memref<!tpu.dma_semaphore, #tpu.memory_space<semaphore_mem>>) src(%dma_wait3A_256 : memref<432xi32, #tpu.memory_space<hbm>>) dst(%arg6 : memref<432xi32, #tpu.memory_space<vmem>>)
      tpu.yield
    }) : () -> ()
    %dma_start3A_188 = arith.constant 0 : i32
    %dma_start3A_189 = arith.constant 0 : i32
    %dma_start3A_190 = tpu.memref_slice %arg2[%dma_start3A_188, %dma_start3A_189] : memref<11024x128xf32, #tpu.memory_space<hbm>> -> memref<11024x128xf32, #tpu.memory_space<hbm>>
    tpu.enqueue_indirect_dma source(%dma_start3A_190 : memref<11024x128xf32, #tpu.memory_space<hbm>>) target(%arg8 : memref<432x128xf32, #tpu.memory_space<vmem>>) offsets(%arg6 : memref<432xi32, #tpu.memory_space<vmem>>) semaphore(%arg10 : memref<!tpu.dma_semaphore, #tpu.memory_space<semaphore_mem>>)
    %dma_wait3A_191 = arith.constant 0 : i32
    %dma_wait3A_192 = arith.constant 0 : i32
    %dma_wait3A_193 = tpu.memref_slice %arg2[%dma_wait3A_191, %dma_wait3A_192] : memref<11024x128xf32, #tpu.memory_space<hbm>> -> memref<11024x128xf32, #tpu.memory_space<hbm>>
    tpu.wait_indirect_dma semaphore(%arg9 : memref<!tpu.dma_semaphore, #tpu.memory_space<semaphore_mem>>) src(%dma_wait3A_193 : memref<11024x128xf32, #tpu.memory_space<hbm>>) dst(%arg7 : memref<432x128xf32, #tpu.memory_space<vmem>>)
    %add3A_194 = arith.constant 4320 : i32
    %add3A_195 = arith.addi %mul3A_2, %add3A_194 : i32
    %dma_start3A_196 = arith.constant 0 : i32
    %dma_start3A_197 = tpu.memref_slice %arg4[%add3A_195, %dma_start3A_196] : memref<193536x128xf32, #tpu.memory_space<hbm>> -> memref<432x128xf32, #tpu.memory_space<hbm>>
    %dma_start3A_198 = arith.constant 0 : i32
    %dma_start3A_199 = tpu.memref_slice %arg4[%add3A_195, %dma_start3A_198] : memref<193536x128xf32, #tpu.memory_space<hbm>> -> memref<432x128xf32, #tpu.memory_space<hbm>>
    tpu.enqueue_dma source(%arg7 : memref<432x128xf32, #tpu.memory_space<vmem>>) target(%dma_start3A_199 : memref<432x128xf32, #tpu.memory_space<hbm>>) target_semaphore(%arg11 : memref<!tpu.dma_semaphore, #tpu.memory_space<semaphore_mem>>)
    %dma_wait3A_200 = arith.constant 0 : i32
    %dma_wait3A_201 = tpu.memref_slice %arg4[%add3A_195, %dma_wait3A_200] : memref<193536x128xf32, #tpu.memory_space<hbm>> -> memref<432x128xf32, #tpu.memory_space<hbm>>
    %dma_wait3A_202 = arith.constant 0 : i32
    %dma_wait3A_203 = tpu.memref_slice %arg4[%add3A_195, %dma_wait3A_202] : memref<193536x128xf32, #tpu.memory_space<hbm>> -> memref<432x128xf32, #tpu.memory_space<hbm>>
    tpu.wait_dma2 semaphore(%arg11 : memref<!tpu.dma_semaphore, #tpu.memory_space<semaphore_mem>>) src(%arg7 : memref<432x128xf32, #tpu.memory_space<vmem>>) dst(%dma_wait3A_203 : memref<432x128xf32, #tpu.memory_space<hbm>>)
    %add3A_204 = arith.constant 5184 : i32
    %add3A_205 = arith.addi %mul3A_2, %add3A_204 : i32
    "tpu.region"() ({
      %run_scoped3A = tpu.sem_alloc : memref<!tpu.dma_semaphore, #tpu.memory_space<semaphore_mem>>
      %dma_start3A_253 = tpu.memref_slice %arg3[%add3A_205] : memref<193536xi32, #tpu.memory_space<hbm>> -> memref<432xi32, #tpu.memory_space<hbm>>
      %dma_start3A_254 = tpu.memref_slice %arg3[%add3A_205] : memref<193536xi32, #tpu.memory_space<hbm>> -> memref<432xi32, #tpu.memory_space<hbm>>
      tpu.enqueue_dma source(%dma_start3A_254 : memref<432xi32, #tpu.memory_space<hbm>>) target(%arg5 : memref<432xi32, #tpu.memory_space<vmem>>) target_semaphore(%run_scoped3A : memref<!tpu.dma_semaphore, #tpu.memory_space<semaphore_mem>>)
      %dma_wait3A_255 = tpu.memref_slice %arg3[%add3A_205] : memref<193536xi32, #tpu.memory_space<hbm>> -> memref<432xi32, #tpu.memory_space<hbm>>
      %dma_wait3A_256 = tpu.memref_slice %arg3[%add3A_205] : memref<193536xi32, #tpu.memory_space<hbm>> -> memref<432xi32, #tpu.memory_space<hbm>>
      tpu.wait_dma2 semaphore(%run_scoped3A : memref<!tpu.dma_semaphore, #tpu.memory_space<semaphore_mem>>) src(%dma_wait3A_256 : memref<432xi32, #tpu.memory_space<hbm>>) dst(%arg5 : memref<432xi32, #tpu.memory_space<vmem>>)
      tpu.yield
    }) : () -> ()
    %dma_start3A_206 = arith.constant 0 : i32
    %dma_start3A_207 = arith.constant 0 : i32
    %dma_start3A_208 = tpu.memref_slice %arg2[%dma_start3A_206, %dma_start3A_207] : memref<11024x128xf32, #tpu.memory_space<hbm>> -> memref<11024x128xf32, #tpu.memory_space<hbm>>
    tpu.enqueue_indirect_dma source(%dma_start3A_208 : memref<11024x128xf32, #tpu.memory_space<hbm>>) target(%arg7 : memref<432x128xf32, #tpu.memory_space<vmem>>) offsets(%arg5 : memref<432xi32, #tpu.memory_space<vmem>>) semaphore(%arg9 : memref<!tpu.dma_semaphore, #tpu.memory_space<semaphore_mem>>)
    %dma_wait3A_209 = arith.constant 0 : i32
    %dma_wait3A_210 = arith.constant 0 : i32
    %dma_wait3A_211 = tpu.memref_slice %arg2[%dma_wait3A_209, %dma_wait3A_210] : memref<11024x128xf32, #tpu.memory_space<hbm>> -> memref<11024x128xf32, #tpu.memory_space<hbm>>
    tpu.wait_indirect_dma semaphore(%arg10 : memref<!tpu.dma_semaphore, #tpu.memory_space<semaphore_mem>>) src(%dma_wait3A_211 : memref<11024x128xf32, #tpu.memory_space<hbm>>) dst(%arg8 : memref<432x128xf32, #tpu.memory_space<vmem>>)
    %add3A_212 = arith.constant 4752 : i32
    %add3A_213 = arith.addi %mul3A_2, %add3A_212 : i32
    %dma_start3A_214 = arith.constant 0 : i32
    %dma_start3A_215 = tpu.memref_slice %arg4[%add3A_213, %dma_start3A_214] : memref<193536x128xf32, #tpu.memory_space<hbm>> -> memref<432x128xf32, #tpu.memory_space<hbm>>
    %dma_start3A_216 = arith.constant 0 : i32
    %dma_start3A_217 = tpu.memref_slice %arg4[%add3A_213, %dma_start3A_216] : memref<193536x128xf32, #tpu.memory_space<hbm>> -> memref<432x128xf32, #tpu.memory_space<hbm>>
    tpu.enqueue_dma source(%arg8 : memref<432x128xf32, #tpu.memory_space<vmem>>) target(%dma_start3A_217 : memref<432x128xf32, #tpu.memory_space<hbm>>) target_semaphore(%arg12 : memref<!tpu.dma_semaphore, #tpu.memory_space<semaphore_mem>>)
    %dma_wait3A_218 = arith.constant 0 : i32
    %dma_wait3A_219 = tpu.memref_slice %arg4[%add3A_213, %dma_wait3A_218] : memref<193536x128xf32, #tpu.memory_space<hbm>> -> memref<432x128xf32, #tpu.memory_space<hbm>>
    %dma_wait3A_220 = arith.constant 0 : i32
    %dma_wait3A_221 = tpu.memref_slice %arg4[%add3A_213, %dma_wait3A_220] : memref<193536x128xf32, #tpu.memory_space<hbm>> -> memref<432x128xf32, #tpu.memory_space<hbm>>
    tpu.wait_dma2 semaphore(%arg12 : memref<!tpu.dma_semaphore, #tpu.memory_space<semaphore_mem>>) src(%arg8 : memref<432x128xf32, #tpu.memory_space<vmem>>) dst(%dma_wait3A_221 : memref<432x128xf32, #tpu.memory_space<hbm>>)
    %add3A_222 = arith.constant 5616 : i32
    %add3A_223 = arith.addi %mul3A_2, %add3A_222 : i32
    "tpu.region"() ({
      %run_scoped3A = tpu.sem_alloc : memref<!tpu.dma_semaphore, #tpu.memory_space<semaphore_mem>>
      %dma_start3A_253 = tpu.memref_slice %arg3[%add3A_223] : memref<193536xi32, #tpu.memory_space<hbm>> -> memref<432xi32, #tpu.memory_space<hbm>>
      %dma_start3A_254 = tpu.memref_slice %arg3[%add3A_223] : memref<193536xi32, #tpu.memory_space<hbm>> -> memref<432xi32, #tpu.memory_space<hbm>>
      tpu.enqueue_dma source(%dma_start3A_254 : memref<432xi32, #tpu.memory_space<hbm>>) target(%arg6 : memref<432xi32, #tpu.memory_space<vmem>>) target_semaphore(%run_scoped3A : memref<!tpu.dma_semaphore, #tpu.memory_space<semaphore_mem>>)
      %dma_wait3A_255 = tpu.memref_slice %arg3[%add3A_223] : memref<193536xi32, #tpu.memory_space<hbm>> -> memref<432xi32, #tpu.memory_space<hbm>>
      %dma_wait3A_256 = tpu.memref_slice %arg3[%add3A_223] : memref<193536xi32, #tpu.memory_space<hbm>> -> memref<432xi32, #tpu.memory_space<hbm>>
      tpu.wait_dma2 semaphore(%run_scoped3A : memref<!tpu.dma_semaphore, #tpu.memory_space<semaphore_mem>>) src(%dma_wait3A_256 : memref<432xi32, #tpu.memory_space<hbm>>) dst(%arg6 : memref<432xi32, #tpu.memory_space<vmem>>)
      tpu.yield
    }) : () -> ()
    %dma_start3A_224 = arith.constant 0 : i32
    %dma_start3A_225 = arith.constant 0 : i32
    %dma_start3A_226 = tpu.memref_slice %arg2[%dma_start3A_224, %dma_start3A_225] : memref<11024x128xf32, #tpu.memory_space<hbm>> -> memref<11024x128xf32, #tpu.memory_space<hbm>>
    tpu.enqueue_indirect_dma source(%dma_start3A_226 : memref<11024x128xf32, #tpu.memory_space<hbm>>) target(%arg8 : memref<432x128xf32, #tpu.memory_space<vmem>>) offsets(%arg6 : memref<432xi32, #tpu.memory_space<vmem>>) semaphore(%arg10 : memref<!tpu.dma_semaphore, #tpu.memory_space<semaphore_mem>>)
    %dma_wait3A_227 = arith.constant 0 : i32
    %dma_wait3A_228 = arith.constant 0 : i32
    %dma_wait3A_229 = tpu.memref_slice %arg2[%dma_wait3A_227, %dma_wait3A_228] : memref<11024x128xf32, #tpu.memory_space<hbm>> -> memref<11024x128xf32, #tpu.memory_space<hbm>>
    tpu.wait_indirect_dma semaphore(%arg9 : memref<!tpu.dma_semaphore, #tpu.memory_space<semaphore_mem>>) src(%dma_wait3A_229 : memref<11024x128xf32, #tpu.memory_space<hbm>>) dst(%arg7 : memref<432x128xf32, #tpu.memory_space<vmem>>)
    %add3A_230 = arith.constant 5184 : i32
    %add3A_231 = arith.addi %mul3A_2, %add3A_230 : i32
    %dma_start3A_232 = arith.constant 0 : i32
    %dma_start3A_233 = tpu.memref_slice %arg4[%add3A_231, %dma_start3A_232] : memref<193536x128xf32, #tpu.memory_space<hbm>> -> memref<432x128xf32, #tpu.memory_space<hbm>>
    %dma_start3A_234 = arith.constant 0 : i32
    %dma_start3A_235 = tpu.memref_slice %arg4[%add3A_231, %dma_start3A_234] : memref<193536x128xf32, #tpu.memory_space<hbm>> -> memref<432x128xf32, #tpu.memory_space<hbm>>
    tpu.enqueue_dma source(%arg7 : memref<432x128xf32, #tpu.memory_space<vmem>>) target(%dma_start3A_235 : memref<432x128xf32, #tpu.memory_space<hbm>>) target_semaphore(%arg11 : memref<!tpu.dma_semaphore, #tpu.memory_space<semaphore_mem>>)
    %dma_wait3A_236 = arith.constant 0 : i32
    %dma_wait3A_237 = arith.constant 0 : i32
    %dma_wait3A_238 = tpu.memref_slice %arg2[%dma_wait3A_236, %dma_wait3A_237] : memref<11024x128xf32, #tpu.memory_space<hbm>> -> memref<11024x128xf32, #tpu.memory_space<hbm>>
    tpu.wait_indirect_dma semaphore(%arg10 : memref<!tpu.dma_semaphore, #tpu.memory_space<semaphore_mem>>) src(%dma_wait3A_238 : memref<11024x128xf32, #tpu.memory_space<hbm>>) dst(%arg8 : memref<432x128xf32, #tpu.memory_space<vmem>>)
    %add3A_239 = arith.constant 5616 : i32
    %add3A_240 = arith.addi %mul3A_2, %add3A_239 : i32
    %dma_start3A_241 = arith.constant 0 : i32
    %dma_start3A_242 = tpu.memref_slice %arg4[%add3A_240, %dma_start3A_241] : memref<193536x128xf32, #tpu.memory_space<hbm>> -> memref<432x128xf32, #tpu.memory_space<hbm>>
    %dma_start3A_243 = arith.constant 0 : i32
    %dma_start3A_244 = tpu.memref_slice %arg4[%add3A_240, %dma_start3A_243] : memref<193536x128xf32, #tpu.memory_space<hbm>> -> memref<432x128xf32, #tpu.memory_space<hbm>>
    tpu.enqueue_dma source(%arg8 : memref<432x128xf32, #tpu.memory_space<vmem>>) target(%dma_start3A_244 : memref<432x128xf32, #tpu.memory_space<hbm>>) target_semaphore(%arg12 : memref<!tpu.dma_semaphore, #tpu.memory_space<semaphore_mem>>)
    %dma_wait3A_245 = arith.constant 0 : i32
    %dma_wait3A_246 = tpu.memref_slice %arg4[%add3A_231, %dma_wait3A_245] : memref<193536x128xf32, #tpu.memory_space<hbm>> -> memref<432x128xf32, #tpu.memory_space<hbm>>
    %dma_wait3A_247 = arith.constant 0 : i32
    %dma_wait3A_248 = tpu.memref_slice %arg4[%add3A_231, %dma_wait3A_247] : memref<193536x128xf32, #tpu.memory_space<hbm>> -> memref<432x128xf32, #tpu.memory_space<hbm>>
    tpu.wait_dma2 semaphore(%arg11 : memref<!tpu.dma_semaphore, #tpu.memory_space<semaphore_mem>>) src(%arg7 : memref<432x128xf32, #tpu.memory_space<vmem>>) dst(%dma_wait3A_248 : memref<432x128xf32, #tpu.memory_space<hbm>>)
    %dma_wait3A_249 = arith.constant 0 : i32
    %dma_wait3A_250 = tpu.memref_slice %arg4[%add3A_240, %dma_wait3A_249] : memref<193536x128xf32, #tpu.memory_space<hbm>> -> memref<432x128xf32, #tpu.memory_space<hbm>>
    %dma_wait3A_251 = arith.constant 0 : i32
    %dma_wait3A_252 = tpu.memref_slice %arg4[%add3A_240, %dma_wait3A_251] : memref<193536x128xf32, #tpu.memory_space<hbm>> -> memref<432x128xf32, #tpu.memory_space<hbm>>
    tpu.wait_dma2 semaphore(%arg12 : memref<!tpu.dma_semaphore, #tpu.memory_space<semaphore_mem>>) src(%arg8 : memref<432x128xf32, #tpu.memory_space<vmem>>) dst(%dma_wait3A_252 : memref<432x128xf32, #tpu.memory_space<hbm>>)
    return
  }
}

module attributes {stable_mosaic.version = 14 : i64} {
  func.func @_prep_body(%arg0: memref<27x8xf32, #tpu.memory_space<vmem>>, %arg1: memref<27x1xf32, #tpu.memory_space<vmem>>, %arg2: memref<8x16384xf32, #tpu.memory_space<vmem>>, %arg3: memref<1x16384xf32, #tpu.memory_space<vmem>>, %arg4: memref<27x16384xf32, #tpu.memory_space<vmem>>) attributes {dimension_semantics = [], scalar_prefetch = 0 : i64, scratch_operands = 0 : i64, tpu.core_type = #tpu.core_type<tc>} {
    %get3A = arith.constant 0 : index
    %get3A_0 = arith.constant 0 : index
    %get3A_1 = vector.load %arg0[%get3A, %get3A_0] : memref<27x8xf32, #tpu.memory_space<vmem>>, vector<27x8xf32>
    %get3A_2 = arith.constant 0 : index
    %get3A_3 = arith.constant 0 : index
    %get3A_4 = vector.load %arg2[%get3A_2, %get3A_3] : memref<8x16384xf32, #tpu.memory_space<vmem>>, vector<8x16384xf32>
    %dot_general3A = arith.constant dense<0.000000e+00> : vector<27x16384xf32>
    %dot_general3A_5 = tpu.matmul %get3A_1, %get3A_4, %dot_general3A {dimension_numbers = #tpu.dot_dimension_numbers<[1], [0], [0], [1], [0, 0, 1, 1], [], []>, transpose_lhs_hint = false} : vector<27x8xf32>, vector<8x16384xf32>, vector<27x16384xf32> -> vector<27x16384xf32>
    %get3A_6 = arith.constant 0 : index
    %get3A_7 = arith.constant 0 : index
    %get3A_8 = vector.load %arg1[%get3A_6, %get3A_7] : memref<27x1xf32, #tpu.memory_space<vmem>>, vector<27x1xf32>
    %mul3A = vector.broadcast %get3A_8 : vector<27x1xf32> to vector<27x16384xf32>
    %mul3A_9 = arith.mulf %dot_general3A_5, %mul3A : vector<27x16384xf32>
    %mul3A_10 = arith.constant 0.00327364239 : f32
    %mul3A_11 = vector.broadcast %mul3A_10 : f32 to vector<27x16384xf32>
    %mul3A_12 = arith.mulf %mul3A_9, %mul3A_11 : vector<27x16384xf32>
    %swap3A = arith.constant 0 : index
    %swap3A_13 = arith.constant 0 : index
    %swap3A_14 = vector.load %arg4[%swap3A, %swap3A_13] : memref<27x16384xf32, #tpu.memory_space<vmem>>, vector<27x16384xf32>
    tpu.vector_store %arg4[%swap3A, %swap3A_13], %mul3A_12 {strides = array<i32>} : memref<27x16384xf32, #tpu.memory_space<vmem>>, vector<27x16384xf32>,
    %get3A_15 = arith.constant 13 : index
    %get3A_16 = arith.constant 0 : index
    %get3A_17 = vector.load %arg4[%get3A_15, %get3A_16] : memref<27x16384xf32, #tpu.memory_space<vmem>>, vector<1x16384xf32>
    %get3A_18 = arith.constant 0 : index
    %get3A_19 = arith.constant 0 : index
    %get3A_20 = vector.load %arg3[%get3A_18, %get3A_19] : memref<1x16384xf32, #tpu.memory_space<vmem>>, vector<1x16384xf32>
    %mul3A_21 = arith.constant 0.0883883461 : f32
    %mul3A_22 = vector.broadcast %mul3A_21 : f32 to vector<1x16384xf32>
    %mul3A_23 = arith.mulf %get3A_20, %mul3A_22 : vector<1x16384xf32>
    %add3A = arith.addf %get3A_17, %mul3A_23 : vector<1x16384xf32>
    %swap3A_24 = arith.constant 13 : index
    %swap3A_25 = arith.constant 0 : index
    %swap3A_26 = vector.load %arg4[%swap3A_24, %swap3A_25] : memref<27x16384xf32, #tpu.memory_space<vmem>>, vector<1x16384xf32>
    tpu.vector_store %arg4[%swap3A_24, %swap3A_25], %add3A {strides = array<i32>} : memref<27x16384xf32, #tpu.memory_space<vmem>>, vector<1x16384xf32>,
    return
  }
}

module attributes {stable_mosaic.version = 14 : i64} {
  func.func @_conv_body(%arg0: i32, %arg1: memref<3072x128xf32, #tpu.memory_space<vmem>>, %arg2: memref<27x128x128xf32, #tpu.memory_space<vmem>>, %arg3: memref<3072x128xf32, #tpu.memory_space<vmem>>) attributes {dimension_semantics = [#tpu.dimension_semantics<arbitrary>], iteration_bounds = array<i64: 27>, scalar_prefetch = 0 : i64, scratch_operands = 0 : i64, tpu.core_type = #tpu.core_type<tc>, window_params = [{transform_indices = @transform_0, window_bounds = array<i64: 3072, 128>}, {pipeline_mode = #tpu.pipeline_mode<synchronous>, transform_indices = @transform_1, window_bounds = array<i64: 27, 128, 128>}, {pipeline_mode = #tpu.pipeline_mode<synchronous>, transform_indices = @transform_2, window_bounds = array<i64: 3072, 128>}]} {
    %eq3A = arith.constant 0 : i32
    %eq3A_0 = arith.cmpi eq, %arg0, %eq3A : i32
    %convert_element_type3A = arith.extui %eq3A_0 : i1 to i32
    %cond3A = arith.constant 0 : i32
    %cond3A_1 = arith.cmpi ne, %convert_element_type3A, %cond3A : i32
    scf.if %cond3A_1 {
      %broadcast_in_dim3A = arith.constant 0.000000e+00 : f32
      %broadcast_in_dim3A_15 = vector.broadcast %broadcast_in_dim3A : f32 to vector<3072x128xf32>
      %swap3A_16 = arith.constant 0 : index
      %swap3A_17 = arith.constant 0 : index
      %swap3A_18 = vector.load %arg3[%swap3A_16, %swap3A_17] : memref<3072x128xf32, #tpu.memory_space<vmem>>, vector<3072x128xf32>
      tpu.vector_store %arg3[%swap3A_16, %swap3A_17], %broadcast_in_dim3A_15 {strides = array<i32>} : memref<3072x128xf32, #tpu.memory_space<vmem>>, vector<3072x128xf32>,
    } else {
    }
    %get3A = arith.constant 0 : index
    %get3A_2 = arith.constant 0 : index
    %get3A_3 = vector.load %arg3[%get3A, %get3A_2] : memref<3072x128xf32, #tpu.memory_space<vmem>>, vector<3072x128xf32>
    %get3A_4 = arith.constant 0 : index
    %get3A_5 = arith.constant 0 : index
    %get3A_6 = vector.load %arg1[%get3A_4, %get3A_5] : memref<3072x128xf32, #tpu.memory_space<vmem>>, vector<3072x128xf32>
    %get3A_7 = arith.index_cast %arg0 : i32 to index
    %get3A_8 = arith.constant 0 : index
    %get3A_9 = arith.constant 0 : index
    %get3A_10 = vector.load %arg2[%get3A_7, %get3A_8, %get3A_9] : memref<27x128x128xf32, #tpu.memory_space<vmem>>, vector<1x128x128xf32>
    %get3A_11 = vector.shape_cast %get3A_10 : vector<1x128x128xf32> to vector<128x128xf32>
    %dot_general3A = arith.constant dense<0.000000e+00> : vector<3072x128xf32>
    %dot_general3A_12 = tpu.matmul %get3A_6, %get3A_11, %dot_general3A {dimension_numbers = #tpu.dot_dimension_numbers<[1], [0], [0], [1], [0, 0, 1, 1], [], []>, transpose_lhs_hint = false} : vector<3072x128xf32>, vector<128x128xf32>, vector<3072x128xf32> -> vector<3072x128xf32>
    %add3A = arith.addf %get3A_3, %dot_general3A_12 : vector<3072x128xf32>
    %swap3A = arith.constant 0 : index
    %swap3A_13 = arith.constant 0 : index
    %swap3A_14 = vector.load %arg3[%swap3A, %swap3A_13] : memref<3072x128xf32, #tpu.memory_space<vmem>>, vector<3072x128xf32>
    tpu.vector_store %arg3[%swap3A, %swap3A_13], %add3A {strides = array<i32>} : memref<3072x128xf32, #tpu.memory_space<vmem>>, vector<3072x128xf32>,
    return
  }
  func.func @transform_0(%arg0: i32) -> (i32, i32) {
    %c0_i32 = arith.constant 0 : i32
    %c0_i32_0 = arith.constant 0 : i32
    return %arg0, %c0_i32 : i32, i32
  }
  func.func @transform_1(%arg0: i32) -> (i32, i32, i32) {
    %c0_i32 = arith.constant 0 : i32
    %c0_i32_0 = arith.constant 0 : i32
    %c0_i32_1 = arith.constant 0 : i32
    %c0_i32_2 = arith.constant 0 : i32
    return %c0_i32, %c0_i32_0, %c0_i32_1 : i32, i32, i32
  }
  func.func @transform_2(%arg0: i32) -> (i32, i32) {
    %c0_i32 = arith.constant 0 : i32
    %c0_i32_0 = arith.constant 0 : i32
    %c0_i32_1 = arith.constant 0 : i32
    return %c0_i32, %c0_i32_0 : i32, i32
  }
}

module attributes {stable_mosaic.version = 14 : i64} {
  func.func @_conv_body(%arg0: i32, %arg1: memref<7168x128xf32, #tpu.memory_space<vmem>>, %arg2: memref<27x128x128xf32, #tpu.memory_space<vmem>>, %arg3: memref<7168x128xf32, #tpu.memory_space<vmem>>) attributes {dimension_semantics = [#tpu.dimension_semantics<arbitrary>], iteration_bounds = array<i64: 27>, scalar_prefetch = 0 : i64, scratch_operands = 0 : i64, tpu.core_type = #tpu.core_type<tc>, window_params = [{transform_indices = @transform_0, window_bounds = array<i64: 7168, 128>}, {pipeline_mode = #tpu.pipeline_mode<synchronous>, transform_indices = @transform_1, window_bounds = array<i64: 27, 128, 128>}, {pipeline_mode = #tpu.pipeline_mode<synchronous>, transform_indices = @transform_2, window_bounds = array<i64: 7168, 128>}]} {
    %eq3A = arith.constant 0 : i32
    %eq3A_0 = arith.cmpi eq, %arg0, %eq3A : i32
    %convert_element_type3A = arith.extui %eq3A_0 : i1 to i32
    %cond3A = arith.constant 0 : i32
    %cond3A_1 = arith.cmpi ne, %convert_element_type3A, %cond3A : i32
    scf.if %cond3A_1 {
      %broadcast_in_dim3A = arith.constant 0.000000e+00 : f32
      %broadcast_in_dim3A_15 = vector.broadcast %broadcast_in_dim3A : f32 to vector<7168x128xf32>
      %swap3A_16 = arith.constant 0 : index
      %swap3A_17 = arith.constant 0 : index
      %swap3A_18 = vector.load %arg3[%swap3A_16, %swap3A_17] : memref<7168x128xf32, #tpu.memory_space<vmem>>, vector<7168x128xf32>
      tpu.vector_store %arg3[%swap3A_16, %swap3A_17], %broadcast_in_dim3A_15 {strides = array<i32>} : memref<7168x128xf32, #tpu.memory_space<vmem>>, vector<7168x128xf32>,
    } else {
    }
    %get3A = arith.constant 0 : index
    %get3A_2 = arith.constant 0 : index
    %get3A_3 = vector.load %arg3[%get3A, %get3A_2] : memref<7168x128xf32, #tpu.memory_space<vmem>>, vector<7168x128xf32>
    %get3A_4 = arith.constant 0 : index
    %get3A_5 = arith.constant 0 : index
    %get3A_6 = vector.load %arg1[%get3A_4, %get3A_5] : memref<7168x128xf32, #tpu.memory_space<vmem>>, vector<7168x128xf32>
    %get3A_7 = arith.index_cast %arg0 : i32 to index
    %get3A_8 = arith.constant 0 : index
    %get3A_9 = arith.constant 0 : index
    %get3A_10 = vector.load %arg2[%get3A_7, %get3A_8, %get3A_9] : memref<27x128x128xf32, #tpu.memory_space<vmem>>, vector<1x128x128xf32>
    %get3A_11 = vector.shape_cast %get3A_10 : vector<1x128x128xf32> to vector<128x128xf32>
    %dot_general3A = arith.constant dense<0.000000e+00> : vector<7168x128xf32>
    %dot_general3A_12 = tpu.matmul %get3A_6, %get3A_11, %dot_general3A {dimension_numbers = #tpu.dot_dimension_numbers<[1], [0], [0], [1], [0, 0, 1, 1], [], []>, transpose_lhs_hint = false} : vector<7168x128xf32>, vector<128x128xf32>, vector<7168x128xf32> -> vector<7168x128xf32>
    %add3A = arith.addf %get3A_3, %dot_general3A_12 : vector<7168x128xf32>
    %swap3A = arith.constant 0 : index
    %swap3A_13 = arith.constant 0 : index
    %swap3A_14 = vector.load %arg3[%swap3A, %swap3A_13] : memref<7168x128xf32, #tpu.memory_space<vmem>>, vector<7168x128xf32>
    tpu.vector_store %arg3[%swap3A, %swap3A_13], %add3A {strides = array<i32>} : memref<7168x128xf32, #tpu.memory_space<vmem>>, vector<7168x128xf32>,
    return
  }
  func.func @transform_0(%arg0: i32) -> (i32, i32) {
    %c0_i32 = arith.constant 0 : i32
    %c0_i32_0 = arith.constant 0 : i32
    return %arg0, %c0_i32 : i32, i32
  }
  func.func @transform_1(%arg0: i32) -> (i32, i32, i32) {
    %c0_i32 = arith.constant 0 : i32
    %c0_i32_0 = arith.constant 0 : i32
    %c0_i32_1 = arith.constant 0 : i32
    %c0_i32_2 = arith.constant 0 : i32
    return %c0_i32, %c0_i32_0, %c0_i32_1 : i32, i32, i32
  }
  func.func @transform_2(%arg0: i32) -> (i32, i32) {
    %c0_i32 = arith.constant 0 : i32
    %c0_i32_0 = arith.constant 0 : i32
    %c0_i32_1 = arith.constant 0 : i32
    return %c0_i32, %c0_i32_0 : i32, i32
  }
}

</mosaic_0001>

<sc_bundles>
// kernel: kernel.10.cloned.1.call-start
scs
__scs_entry_jumppad:
0x0: {  	(pc) =	sbr.rel $0x88, $3  }
0x1: {  	(tag) =	ssettag $0x0;
	lr =	simm.s32 $0x1  }
0x2: {  	[smem:$0x3F9B] =	sst lr;
	_ =	strace $0xD0000000  }
0x3: {  	_ = 	snop  }
0x4: {  	_ = 	snop  }
0x5: {  	_ = 	snop  }
0x6: {  	_ = 	snop  }
0x7: {  	_ = 	snop  }
__scs_overlays_trampoline_lowered:
0x8: {  	[smem:$0x3FAA] =	sst s0  }
0x9: {  	[smem:$0x3FAB] =	sst s1  }
0xa: {  	[smem:$0x3FAC] =	sst s2  }
0xb: {  	[smem:$0x3FAD] =	sst s3  }
0xc: {  	[smem:$0x3FAE] =	sst s4  }
0xd: {  	[smem:$0x3FAF] =	sst s5  }
0xe: {  	[smem:$0x3FB0] =	sst s6  }
0xf: {  	[smem:$0x3FB1] =	sst s7  }
0x10: {  	[smem:$0x3FB2] =	sst s8  }
0x11: {  	[smem:$0x3FB3] =	sst s9;
	s0 =	simm.s32 @!p0 $0x0  }
0x12: {  	s1 =	sld [smem:$0x3F99];
	s0 =	simm.s32 @p0 $0x1  }
0x13: {  	[smem:$0x3FB4] =	sst s0;
	s0 =	simm.s32 @!p1 $0x0  }
0x14: {  	s2 =	sld [smem:$0x3F98];
	s0 =	simm.s32 @p1 $0x1  }
0x15: {  	[smem:$0x3FB5] =	sst s0;
	s0 =	simm.s32 @!p2 $0x0  }
0x16: {  	s3 =	sld [smem:$0x3FDB];
	s0 =	simm.s32 @p2 $0x1  }
0x17: {  	s4 =	simm.s32 $0x1BF5;
	[smem:$0x3FB7] =	sst s0  }
0x18: {  	s0 =	sld [smem:$0x3F9A];
	_ =	swait.ge [sflag:s4], $0x0  }
0x19: {  	s7 =	sld [smem:$0x3F9B]  }
0x1a: {  	s8 =	sadd.s32 $0xFFFFE003, lr  }
0x1b: {  	s9 =	sadd.s32 $0xFFFFFEF7, lr;
	s5 =	simm.s32 $0xFFFFFFFF;
	p2 =	slt.u32 s8, $0xFFFFF086  }
0x1c: {  	p1 =	slt.u32 s9, $0xF7A;
	s5 =	simm.s32 @!p2 $0x0  }
0x1d: {  	s5 =	simm.s32 @p1 $0x1;
	p0 =	seq.s32 s7, s2  }
0x1e: {  	s7 =	smul.u32 @!p0 $0xF7A, s2;
	p2 =	seq.s32 @!p0 s5, $0x0  }
0x1f: {  	s9 =	smul.u32 $0xF7A, s1;
	s8 =	simm.s32 @!p0 $0x1BF5;
	p2 =	por !p2, p0  }
0x20: {  	[sflag:s8] =	ssyncset.s32 @!p0 $0xFFFFF086;
	s6 =	sadd.s32 @!p0 s3, s7;
	s7 =	simm.s32 @!p0 $0x108  }
0x21: {  	s3 =	sadd.s32 s3, s9;
	s6 =	sadd.s32 @!p0 $0x88, s6;
	s7 =	simm.s32 @p2 $0x1082  }
0x22: {  	[simem:s7], [sflag:s8] =	dma.local @!p0 [hbm:s6], $0xF7A  }
0x23: {  	s9 =	sor.u32 $0xD0000000, s2;
	s6 =	simm.s32 $0x108;
	_ =	swait.ge @!p0 [sflag:s8], $0x0  }
0x24: {  	s3 =	sadd.s32 $0x88, s3;
	s6 =	simm.s32 @!p1 $0x1082;
	[sflag:s4] =	ssyncset.s32 $0xFFFFF086  }
0x25: {  	[simem:s6], [sflag:s4] =	dma.local [hbm:s3], $0xF7A  }
0x26: {  	[smem:$0x3F9B] =	sst s1;
	(tag) =	ssettag s2;
	_ =	strace s9  }
0x27: {  	s1 =	sld [smem:$0x3FAB]  }
0x28: {  	s2 =	sld [smem:$0x3FAC]  }
0x29: {  	s4 =	sld [smem:$0x3FAE]  }
0x2a: {  	p0 =	seq.s32 s5, $0x0;
	s5 =	sld [smem:$0x3FAF]  }
0x2b: {  	s6 =	sld [smem:$0x3FB0]  }
0x2c: {  	s7 =	sld [smem:$0x3FB1]  }
0x2d: {  	s3 =	simm.s32 $0x108;
	s8 =	sld [smem:$0x3FB2]  }
0x2e: {  	s3 =	simm.s32 @!p0 $0x1082;
	s9 =	sld [smem:$0x3FB3]  }
0x2f: {  	lr =	sadd.s32 s0, s3;
	s0 =	sld [smem:$0x3FAA]  }
0x30: {  	s3 =	sld [smem:$0x3FAD]  }
0x31: {  	[smem:$0x3FB6] =	sst s10  }
0x32: {  	s10 =	sld [smem:$0x3FB4];
	_ =	sdelay $0x3  }
0x33: {  	p0 =	seq.s32 s10, $0x1;
	s10 =	sld [smem:$0x3FB6];
	_ =	sdelay $0x3  }
0x34: {  	[smem:$0x3FB6] =	sst s10  }
0x35: {  	s10 =	sld [smem:$0x3FB5];
	_ =	sdelay $0x3  }
0x36: {  	p1 =	seq.s32 s10, $0x1;
	s10 =	sld [smem:$0x3FB6];
	_ =	sdelay $0x3  }
0x37: {  	[smem:$0x3FB6] =	sst s10  }
0x38: {  	s10 =	sld [smem:$0x3FB7]  }
0x39: {  	_ = 	snop;
	(pc) =	sbr.ind lr, $3  }
0x3a: {  	_ = 	snop  }
0x3b: {  	_ = 	snop  }
0x3c: {  	p2 =	seq.s32 s10, $0x1;
	s10 =	sld [smem:$0x3FB6]  }
0x3d: {  	_ =	shalt  }
0x3e: {  	_ =	shalt  }
0x3f: {  	_ =	shalt  }
0x40: {  	_ =	shalt  }
0x41: {  	_ =	shalt  }
0x42: {  	_ =	shalt  }
0x43: {  	_ =	shalt  }
0x44: {  	_ =	shalt  }
0x45: {  	_ =	shalt  }
0x46: {  	_ =	shalt  }
0x47: {  	_ =	shalt  }
0x48: {  	_ =	shalt  }
0x49: {  	_ =	shalt  }
0x4a: {  	_ =	shalt  }
0x4b: {  	_ =	shalt  }
0x4c: {  	_ =	shalt  }
0x4d: {  	_ =	shalt  }
0x4e: {  	_ =	shalt  }
0x4f: {  	_ =	shalt  }
0x50: {  	_ =	shalt  }
0x51: {  	_ =	shalt  }
0x52: {  	_ =	shalt  }
0x53: {  	_ =	shalt  }
0x54: {  	_ =	shalt  }
0x55: {  	_ =	shalt  }
0x56: {  	_ =	shalt  }
0x57: {  	_ =	shalt  }
0x58: {  	_ =	shalt  }
0x59: {  	_ =	shalt  }
0x5a: {  	_ =	shalt  }
0x5b: {  	_ =	shalt  }
0x5c: {  	_ =	shalt  }
0x5d: {  	_ =	shalt  }
0x5e: {  	_ =	shalt  }
0x5f: {  	_ =	shalt  }
0x60: {  	_ =	shalt  }
0x61: {  	_ =	shalt  }
0x62: {  	_ =	shalt  }
0x63: {  	_ =	shalt  }
0x64: {  	_ =	shalt  }
0x65: {  	_ =	shalt  }
0x66: {  	_ =	shalt  }
0x67: {  	_ =	shalt  }
0x68: {  	_ =	shalt  }
0x69: {  	_ =	shalt  }
0x6a: {  	_ =	shalt  }
0x6b: {  	_ =	shalt  }
0x6c: {  	_ =	shalt  }
0x6d: {  	_ =	shalt  }
0x6e: {  	_ =	shalt  }
0x6f: {  	_ =	shalt  }
0x70: {  	_ =	shalt  }
0x71: {  	_ =	shalt  }
0x72: {  	_ =	shalt  }
0x73: {  	_ =	shalt  }
0x74: {  	_ =	shalt  }
0x75: {  	_ =	shalt  }
0x76: {  	_ =	shalt  }
0x77: {  	_ =	shalt  }
0x78: {  	_ =	shalt  }
0x79: {  	_ =	shalt  }
0x7a: {  	_ =	shalt  }
0x7b: {  	_ =	shalt  }
0x7c: {  	_ =	shalt  }
0x7d: {  	_ =	shalt  }
0x7e: {  	_ =	shalt  }
0x7f: {  	_ =	shalt  }
0x80: {  	_ =	shalt  }
0x81: {  	_ =	shalt  }
0x82: {  	_ =	shalt  }
0x83: {  	_ =	shalt  }
0x84: {  	_ =	shalt  }
0x85: {  	_ =	shalt  }
0x86: {  	_ =	shalt  }
0x87: {  	_ =	shalt  }
.Lfunc_end0:
.L_simem_size_0:
called_computation.1_lowered:
.L_overlay_start_0:
0x88: {  	s2 =	sld [smem:$0x3FD9]  }
0x89: {  	s3 =	sld [smem:$0x3FFE];
	_ =	sdelay $0x1  }
0x8a: {  	s1 =	srdreg.scid  }
0x8b: {  	s0 =	sand.u32 $0x1, s1  }
0x8c: {  	s16 =	sshll.u32 s0, $0xA;
	s2 =	sadd.s32 s3, s2  }
0x8d: {  	s2 =	sadd.s32 s2, s16  }
0x8e: {  	[smem:$0x3FC2] =	sst s2  }
0x8f: {  	_ = 	snop  }
0x90: {  	(tm) =	ssettm $0x1  }
0x91: {  	s17 =	sld [smem:$0x3FFB];
	_ =	sdelay $0x3  }
0x92: {  	_ =	strace s17  }
0x93: {  	s2 =	sld [smem:$0x3FFC];
	_ =	sdelay $0x3  }
0x94: {  	_ =	strace s2  }
0x95: {  	s2 =	sld [smem:$0x3FFD];
	_ =	sdelay $0x3  }
0x96: {  	_ =	strace s2  }
0x97: {  	_ =	strace $0x8FFFFFFF  }
0x98: {  	s18 =	sld [smem:$0x3FDB];
	_ =	sdelay $0x1  }
0x99: {  	s19 =	simm.s32 $_scs_section_size  }
0x9a: {  	s4 =	simm.s32 $_size__tile_overlayer_lowered;
	s5 =	simm.s32 $_tile_overlayer_lowered  }
0x9b: {  	s22 =	simm.s32 $0x1BFF;
	s21 =	sshll.u32 s5, $0x1;
	s2 =	sadd.s32 s19, s18  }
0x9c: {  	s6 =	simm.s32 $0x0;
	s20 =	sshll.u32 s4, $0x1;
	s4 =	sadd.s32 s21, s2  }
0x9d: {  	[timem:s6], [sflag:s22] =	dma.local [hbm:s4], s20  }
0x9e: {  	_ =	swait.ge [sflag:s22], s20  }
0x9f: {  	s3 =	ssub.s32 $0x0, s20;
	[sflag:s22] =	ssyncset.done $0x0  }
0xa0: {  	[sflag:s22] =	ssyncadd.s32 s3;
	_ =	sdelay $0x1  }
0xa1: {  	s23 =	simm.s32 $0x1B8B  }
0xa2: {  	_ =	swait.ge [sflag:s23], $0x1  }
0xa3: {  	[sflag:s23] =	ssyncset.done $0x0  }
0xa4: {  	s25 =	simm.s32 $0x1B8E;
	s24 =	sld [smem:$0x3FFE];
	[sflag:s23] =	ssyncadd.s32 $0xFFFFFFFF  }
0xa5: {  	s26 =	simm.s32 $execute0_lowered;
	[smem:$0x3FD2] =	sst s25  }
0xa6: {  	s4 =	sshll.u32 s26, $0x1;
	_ =	strace $0x80000046;
	[dreg:$0x1] =	wrdreg $0xFFFFFFFF  }
0xa7: {  	s28 =	simm.s32 $_size_execute0_lowered;
	s2 =	sadd.s32 s2, s4;
	[dreg:$0x0] =	wrdreg $0x0  }
0xa8: {  	s4 =	sshll.u32 s28, $0x1;
	[dreg:$0x2] =	wrdreg s2  }
0xa9: {  	[dreg:$0x3] =	wrdreg s4  }
0xaa: {  	[dreg:$0x4] =	wrdreg $0xC0  }
0xab: {  	_ =	task [dreg:s6], $0x5FFFF  }
0xac: {  	[dreg:$0x1] =	wrdreg $0xFFFFFFFF  }
0xad: {  	[dreg:$0x0] =	wrdreg $0x60  }
0xae: {  	[dreg:$0x2] =	wrdreg s24  }
0xaf: {  	[dreg:$0x3] =	wrdreg $0xA  }
0xb0: {  	_ =	task.clear_ibuf [dreg:s6], $0x4FFFF;
	_ =	strace $0x90000046  }
0xb1: {  	s29 =	simm.s32 $0xA;
	_ =	strace $0x80000048  }
0xb2: {  	_ =	swait.ge [sflag:s29], $0x1  }
0xb3: {  	[sflag:s29] =	ssyncadd.s32 $0xFFFFFFFF  }
0xb4: {  	_ =	strace $0x90000048  }
0xb5: {  	_ =	sfence  }
0xb6: {  	s30 =	sld [smem:$0x0];
	_ =	sdelay $0x2  }
0xb7: {  	s31 =	sshll.u32 s1, $0xD;
	s1 =	sshrl.u32 s1, $0x2  }
0xb8: {  	s3 =	sand.u32 $0x4000, s31;
	s1 =	sadd.s32 s1, s30  }
0xb9: {  	s0 =	sor.u32 s3, s0;
	s1 =	sshll.u32 s1, $0x11  }
0xba: {  	s0 =	sor.u32 s1, s0  }
0xbb: {  	s0 =	sadd.s32 $0x8F2B, s0  }
0xbc: {  	[sflag:s0] =	ssyncadd.remote.s32 $0x1  }
0xbd: {  	_ =	sfence.sel $0xFFFF  }
0xbe: {  	[dreg:$0x0] =	wrdreg $0xFFFFFFFF;
	(pc) =	sbr.abs _section_cstart, $3  }
0xbf: {  	[dreg:$0x1] =	wrdreg $0xFFFFFFFF  }
0xc0: {  	_ =	task.clear_ibuf [dreg:s6], $0x2FFFF;
	_ =	strace $0x9FFFFFFF  }
0xc1: {  	(tm) =	ssettm $0x7FFFFFFF  }
tec
execute0_lowered:
.L_overlay_start_1:
0x0: {  	(tag) =	ssettag $0x1  }
0x1: {  	s1 =	srdreg.scid;
	s0 =	stileid.u32  }
0x2: {  	s25 =	sand.u32 $0x1, s1;
	s28 =	sshll.u32 s0, $0x1  }
0x3: {  	s12 =	sor.u32 s25, s28  }
0x4: {  	s23 =	smul.u32 $0xA20, s12  }
0x5: {  	s13 =	rddreg [dreg:$0x0];
	s2 =	simm.s32 $0x0;
	s4 =	simm.s32 $0x5  }
0x6: {  	[smem:$0x7FF] =	sst s2;
	s22 =	sadd.s32 $0x1000, s13;
	s3 =	sshrl.u32 s23, $0x3  }
0x7: {  	s1 =	rddreg [dreg:$0x1];
	_ =	strace $0x80000047;
	s3 =	sadd.s32 s22, s3  }
0x8: {  	[tilespmem:s2], [sflag:$0x5] =	stream.linear.gather [hbm4b:s3+s2], $0x1B0, $0x38;
	[tilespmem:$0x1B400] =	vst v63  }
0x9: {  	s6 =	simm.s32 $0x1B0;
	_ =	swait.ge [sflag:s4], $0x1B0  }
0xa: {  	s7 =	simm.s32 $0x400;
	s16 =	sadd.s32 $0x1B0, s23;
	[sflag:s4] =	ssyncset.done $0x0  }
0xb: {  	s5 =	sadd.s32 $0x3A00, s13;
	s8 =	sshrl.u32 s16, $0x3;
	[sflag:s4] =	ssyncadd.s32 $0xFFFFFE50  }
0xc: {  	[tilespmem:s7], [sflag:$0x1] =	stream.indirect.gather [hbm4b:s5+s6], $0x80, s2, s6, $0xb8;
	[tilespmem:$0x1B400] =	vst v63  }
0xd: {  	s9 =	simm.s32 $0x200;
	s8 =	sadd.s32 s22, s8  }
0xe: {  	[tilespmem:s9], [sflag:$0x5] =	stream.linear.gather [hbm4b:s8+s2], $0x1B0, $0x38;
	[tilespmem:$0x1B400] =	vst v63  }
0xf: {  	_ =	swait.ge [sflag:s4], $0x1B0  }
0x10: {  	[sflag:s4] =	ssyncset.done $0x0  }
0x11: {  	s10 =	simm.s32 $0xDC00;
	s11 =	simm.s32 $0x1;
	[sflag:s4] =	ssyncadd.s32 $0xFFFFFE50  }
0x12: {  	[tilespmem:s10], [sflag:$0x2] =	stream.indirect.gather [hbm4b:s5+s6], $0x80, s9, s6, $0xb8;
	[tilespmem:$0x1B400] =	vst v63  }
0x13: {  	s12 =	smul.u32 $0xA200, s12;
	_ =	swait.ge [sflag:s11], $0xD800  }
0x14: {  	s24 =	sadd.s32 $0x2EC00, s13;
	[sflag:s11] =	ssyncset.done $0x0  }
0x15: {  	s13 =	simm.s32 $0x3;
	s12 =	sadd.s32 s24, s12;
	[sflag:s11] =	ssyncadd.s32 $0xFFFF2800  }
0x16: {  	[hbm4b:s12+s2] =	stream.linear.scatter [tilespmem:s7], [sflag:$0x3], $0xD800, $0x38;
	[tilespmem:$0x1B400] =	vst v63  }
0x17: {  	s19 =	sadd.s32 $0x360, s23;
	_ =	swait.ge [sflag:s13], $0xD800  }
0x18: {  	s14 =	sshrl.u32 s19, $0x3;
	[sflag:s13] =	ssyncset.done $0x0  }
0x19: {  	s14 =	sadd.s32 s22, s14;
	[sflag:s13] =	ssyncadd.s32 $0xFFFF2800  }
0x1a: {  	[tilespmem:s2], [sflag:$0x5] =	stream.linear.gather [hbm4b:s14+s2], $0x1B0, $0x38;
	[tilespmem:$0x1B400] =	vst v63  }
0x1b: {  	_ =	swait.ge [sflag:s4], $0x1B0  }
0x1c: {  	[sflag:s4] =	ssyncset.done $0x0  }
0x1d: {  	s15 =	simm.s32 $0x2;
	[sflag:s4] =	ssyncadd.s32 $0xFFFFFE50  }
0x1e: {  	[tilespmem:s7], [sflag:$0x1] =	stream.indirect.gather [hbm4b:s5+s6], $0x80, s2, s6, $0xb8;
	[tilespmem:$0x1B400] =	vst v63  }
0x1f: {  	_ =	swait.ge [sflag:s15], $0xD800  }
0x20: {  	s16 =	sshll.u32 s16, $0x4;
	[sflag:s15] =	ssyncset.done $0x0  }
0x21: {  	s17 =	sadd.s32 s24, s16;
	s16 =	simm.s32 $0x4;
	[sflag:s15] =	ssyncadd.s32 $0xFFFF2800  }
0x22: {  	[hbm4b:s17+s2] =	stream.linear.scatter [tilespmem:s10], [sflag:$0x4], $0xD800, $0x38;
	[tilespmem:$0x1B400] =	vst v63  }
0x23: {  	s21 =	sadd.s32 $0x510, s23;
	_ =	swait.ge [sflag:s16], $0xD800  }
0x24: {  	s18 =	sshrl.u32 s21, $0x3;
	[sflag:s16] =	ssyncset.done $0x0  }
0x25: {  	s18 =	sadd.s32 s22, s18;
	[sflag:s16] =	ssyncadd.s32 $0xFFFF2800  }
0x26: {  	[tilespmem:s9], [sflag:$0x5] =	stream.linear.gather [hbm4b:s18+s2], $0x1B0, $0x38;
	[tilespmem:$0x1B400] =	vst v63  }
0x27: {  	_ =	swait.ge [sflag:s4], $0x1B0  }
0x28: {  	[sflag:s4] =	ssyncset.done $0x0  }
0x29: {  	[sflag:s4] =	ssyncadd.s32 $0xFFFFFE50  }
0x2a: {  	[tilespmem:s10], [sflag:$0x2] =	stream.indirect.gather [hbm4b:s5+s6], $0x80, s9, s6, $0xb8;
	[tilespmem:$0x1B400] =	vst v63  }
0x2b: {  	_ =	swait.ge [sflag:s11], $0xD800  }
0x2c: {  	s19 =	sshll.u32 s19, $0x4;
	[sflag:s11] =	ssyncset.done $0x0  }
0x2d: {  	s19 =	sadd.s32 s24, s19;
	[sflag:s11] =	ssyncadd.s32 $0xFFFF2800  }
0x2e: {  	[hbm4b:s19+s2] =	stream.linear.scatter [tilespmem:s7], [sflag:$0x3], $0xD800, $0x38;
	[tilespmem:$0x1B400] =	vst v63  }
0x2f: {  	s26 =	sadd.s32 $0x6C0, s23;
	_ =	swait.ge [sflag:s13], $0xD800  }
0x30: {  	s20 =	sshrl.u32 s26, $0x3;
	[sflag:s13] =	ssyncset.done $0x0  }
0x31: {  	s20 =	sadd.s32 s22, s20;
	[sflag:s13] =	ssyncadd.s32 $0xFFFF2800  }
0x32: {  	[tilespmem:s2], [sflag:$0x5] =	stream.linear.gather [hbm4b:s20+s2], $0x1B0, $0x38;
	[tilespmem:$0x1B400] =	vst v63  }
0x33: {  	_ =	swait.ge [sflag:s4], $0x1B0  }
0x34: {  	[sflag:s4] =	ssyncset.done $0x0  }
0x35: {  	[sflag:s4] =	ssyncadd.s32 $0xFFFFFE50  }
0x36: {  	[tilespmem:s7], [sflag:$0x1] =	stream.indirect.gather [hbm4b:s5+s6], $0x80, s2, s6, $0xb8;
	[tilespmem:$0x1B400] =	vst v63  }
0x37: {  	_ =	swait.ge [sflag:s15], $0xD800  }
0x38: {  	s21 =	sshll.u32 s21, $0x4;
	[sflag:s15] =	ssyncset.done $0x0  }
0x39: {  	s21 =	sadd.s32 s24, s21;
	[sflag:s15] =	ssyncadd.s32 $0xFFFF2800  }
0x3a: {  	[hbm4b:s21+s2] =	stream.linear.scatter [tilespmem:s10], [sflag:$0x4], $0xD800, $0x38;
	[tilespmem:$0x1B400] =	vst v63  }
0x3b: {  	s28 =	sadd.s32 $0x870, s23;
	_ =	swait.ge [sflag:s16], $0xD800  }
0x3c: {  	s23 =	sshrl.u32 s28, $0x3;
	[sflag:s16] =	ssyncset.done $0x0  }
0x3d: {  	s22 =	sadd.s32 s22, s23;
	[sflag:s16] =	ssyncadd.s32 $0xFFFF2800  }
0x3e: {  	[tilespmem:s9], [sflag:$0x5] =	stream.linear.gather [hbm4b:s22+s2], $0x1B0, $0x38;
	[tilespmem:$0x1B400] =	vst v63  }
0x3f: {  	_ =	swait.ge [sflag:s4], $0x1B0  }
0x40: {  	[sflag:s4] =	ssyncset.done $0x0  }
0x41: {  	[sflag:s4] =	ssyncadd.s32 $0xFFFFFE50  }
0x42: {  	[tilespmem:s10], [sflag:$0x2] =	stream.indirect.gather [hbm4b:s5+s6], $0x80, s9, s6, $0xb8;
	[tilespmem:$0x1B400] =	vst v63  }
0x43: {  	_ =	swait.ge [sflag:s11], $0xD800  }
0x44: {  	s25 =	ssub.s32 $0x2, s25;
	s29 =	sshll.u32 s26, $0x4;
	[sflag:s11] =	ssyncset.done $0x0  }
0x45: {  	s31 =	sshrl.u32 s25, $0x1;
	s23 =	sadd.s32 s24, s29;
	[sflag:s11] =	ssyncadd.s32 $0xFFFF2800  }
0x46: {  	[hbm4b:s23+s2] =	stream.linear.scatter [tilespmem:s7], [sflag:$0x3], $0xD800, $0x38;
	[tilespmem:$0x1B400] =	vst v63  }
0x47: {  	s25 =	ssub.s32 s25, s31;
	_ =	swait.ge [sflag:s15], $0xD800  }
0x48: {  	s25 =	smax.u32 s25, $0x1;
	s30 =	sshll.u32 s28, $0x4;
	[sflag:s15] =	ssyncset.done $0x0  }
0x49: {  	p0 =	sne.s32 s25, $0x1;
	s24 =	sadd.s32 s24, s30;
	[sflag:s15] =	ssyncadd.s32 $0xFFFF2800  }
0x4a: {  	[hbm4b:s24+s2] =	stream.linear.scatter [tilespmem:s10], [sflag:$0x4], $0xD800, $0x38;
	[tilespmem:$0x1B400] =	vst v63  }
.Ltmp0:
0x4b: {  	_ =	swait.ge [sflag:s13], $0xD800;
	(pc) =	sbr.rel @!p0 .LBB2_2-.Ltmp0, $4  }
0x4c: {  	[sflag:s13] =	ssyncset.done $0x0  }
0x4d: {  	[sflag:s13] =	ssyncadd.s32 $0xFFFF2800  }
0x4e: {  	_ =	swait.ge [sflag:s16], $0xD800  }
0x4f: {  	s25 =	sadd.s32 $0xFFFFFFFF, s25;
	[sflag:s16] =	ssyncset.done $0x0  }
.LBB2_1:
0x50: {  	p0 =	sne.s32 s25, $0x1;
	s25 =	sadd.s32 $0xFFFFFFFF, s25;
	[sflag:s16] =	ssyncadd.s32 $0xFFFF2800  }
0x51: {  	[tilespmem:s2], [sflag:$0x5] =	stream.linear.gather [hbm4b:s3+s2], $0x1B0, $0x38;
	[tilespmem:$0x1B400] =	vst v63  }
0x52: {  	_ =	swait.ge [sflag:s4], $0x1B0  }
0x53: {  	[sflag:s4] =	ssyncset.done $0x0  }
0x54: {  	[sflag:s4] =	ssyncadd.s32 $0xFFFFFE50  }
0x55: {  	[tilespmem:s7], [sflag:$0x1] =	stream.indirect.gather [hbm4b:s5+s6], $0x80, s2, s6, $0xb8;
	[tilespmem:$0x1B400] =	vst v63  }
0x56: {  	_ = 	snop  }
0x57: {  	[tilespmem:s9], [sflag:$0x5] =	stream.linear.gather [hbm4b:s8+s2], $0x1B0, $0x38;
	[tilespmem:$0x1B400] =	vst v63  }
0x58: {  	_ =	swait.ge [sflag:s4], $0x1B0  }
0x59: {  	[sflag:s4] =	ssyncset.done $0x0  }
0x5a: {  	[sflag:s4] =	ssyncadd.s32 $0xFFFFFE50  }
0x5b: {  	[tilespmem:s10], [sflag:$0x2] =	stream.indirect.gather [hbm4b:s5+s6], $0x80, s9, s6, $0xb8;
	[tilespmem:$0x1B400] =	vst v63  }
0x5c: {  	_ =	swait.ge [sflag:s11], $0xD800  }
0x5d: {  	[sflag:s11] =	ssyncset.done $0x0  }
0x5e: {  	[sflag:s11] =	ssyncadd.s32 $0xFFFF2800  }
0x5f: {  	[hbm4b:s12+s2] =	stream.linear.scatter [tilespmem:s7], [sflag:$0x3], $0xD800, $0x38;
	[tilespmem:$0x1B400] =	vst v63  }
0x60: {  	_ =	swait.ge [sflag:s13], $0xD800  }
0x61: {  	[sflag:s13] =	ssyncset.done $0x0  }
0x62: {  	[sflag:s13] =	ssyncadd.s32 $0xFFFF2800  }
0x63: {  	[tilespmem:s2], [sflag:$0x5] =	stream.linear.gather [hbm4b:s14+s2], $0x1B0, $0x38;
	[tilespmem:$0x1B400] =	vst v63  }
0x64: {  	_ =	swait.ge [sflag:s4], $0x1B0  }
0x65: {  	[sflag:s4] =	ssyncset.done $0x0  }
0x66: {  	[sflag:s4] =	ssyncadd.s32 $0xFFFFFE50  }
0x67: {  	[tilespmem:s7], [sflag:$0x1] =	stream.indirect.gather [hbm4b:s5+s6], $0x80, s2, s6, $0xb8;
	[tilespmem:$0x1B400] =	vst v63  }
0x68: {  	_ =	swait.ge [sflag:s15], $0xD800  }
0x69: {  	[sflag:s15] =	ssyncset.done $0x0  }
0x6a: {  	[sflag:s15] =	ssyncadd.s32 $0xFFFF2800  }
0x6b: {  	[hbm4b:s17+s2] =	stream.linear.scatter [tilespmem:s10], [sflag:$0x4], $0xD800, $0x38;
	[tilespmem:$0x1B400] =	vst v63  }
0x6c: {  	_ =	swait.ge [sflag:s16], $0xD800  }
0x6d: {  	[sflag:s16] =	ssyncset.done $0x0  }
0x6e: {  	[sflag:s16] =	ssyncadd.s32 $0xFFFF2800  }
0x6f: {  	[tilespmem:s9], [sflag:$0x5] =	stream.linear.gather [hbm4b:s18+s2], $0x1B0, $0x38;
	[tilespmem:$0x1B400] =	vst v63  }
0x70: {  	_ =	swait.ge [sflag:s4], $0x1B0  }
0x71: {  	[sflag:s4] =	ssyncset.done $0x0  }
0x72: {  	[sflag:s4] =	ssyncadd.s32 $0xFFFFFE50  }
0x73: {  	[tilespmem:s10], [sflag:$0x2] =	stream.indirect.gather [hbm4b:s5+s6], $0x80, s9, s6, $0xb8;
	[tilespmem:$0x1B400] =	vst v63  }
0x74: {  	_ =	swait.ge [sflag:s11], $0xD800  }
0x75: {  	[sflag:s11] =	ssyncset.done $0x0  }
0x76: {  	[sflag:s11] =	ssyncadd.s32 $0xFFFF2800  }
0x77: {  	[hbm4b:s19+s2] =	stream.linear.scatter [tilespmem:s7], [sflag:$0x3], $0xD800, $0x38;
	[tilespmem:$0x1B400] =	vst v63  }
0x78: {  	_ =	swait.ge [sflag:s13], $0xD800  }
0x79: {  	[sflag:s13] =	ssyncset.done $0x0  }
0x7a: {  	[sflag:s13] =	ssyncadd.s32 $0xFFFF2800  }
0x7b: {  	[tilespmem:s2], [sflag:$0x5] =	stream.linear.gather [hbm4b:s20+s2], $0x1B0, $0x38;
	[tilespmem:$0x1B400] =	vst v63  }
0x7c: {  	_ =	swait.ge [sflag:s4], $0x1B0  }
0x7d: {  	[sflag:s4] =	ssyncset.done $0x0  }
0x7e: {  	[sflag:s4] =	ssyncadd.s32 $0xFFFFFE50  }
0x7f: {  	[tilespmem:s7], [sflag:$0x1] =	stream.indirect.gather [hbm4b:s5+s6], $0x80, s2, s6, $0xb8;
	[tilespmem:$0x1B400] =	vst v63  }
0x80: {  	_ =	swait.ge [sflag:s15], $0xD800  }
0x81: {  	[sflag:s15] =	ssyncset.done $0x0  }
0x82: {  	[sflag:s15] =	ssyncadd.s32 $0xFFFF2800  }
0x83: {  	[hbm4b:s21+s2] =	stream.linear.scatter [tilespmem:s10], [sflag:$0x4], $0xD800, $0x38;
	[tilespmem:$0x1B400] =	vst v63  }
0x84: {  	_ =	swait.ge [sflag:s16], $0xD800  }
0x85: {  	[sflag:s16] =	ssyncset.done $0x0  }
0x86: {  	[sflag:s16] =	ssyncadd.s32 $0xFFFF2800  }
0x87: {  	[tilespmem:s9], [sflag:$0x5] =	stream.linear.gather [hbm4b:s22+s2], $0x1B0, $0x38;
	[tilespmem:$0x1B400] =	vst v63  }
0x88: {  	_ =	swait.ge [sflag:s4], $0x1B0  }
0x89: {  	[sflag:s4] =	ssyncset.done $0x0  }
0x8a: {  	[sflag:s4] =	ssyncadd.s32 $0xFFFFFE50  }
0x8b: {  	[tilespmem:s10], [sflag:$0x2] =	stream.indirect.gather [hbm4b:s5+s6], $0x80, s9, s6, $0xb8;
	[tilespmem:$0x1B400] =	vst v63  }
0x8c: {  	_ =	swait.ge [sflag:s11], $0xD800  }
0x8d: {  	[sflag:s11] =	ssyncset.done $0x0  }
0x8e: {  	[sflag:s11] =	ssyncadd.s32 $0xFFFF2800  }
0x8f: {  	[hbm4b:s23+s2] =	stream.linear.scatter [tilespmem:s7], [sflag:$0x3], $0xD800, $0x38;
	[tilespmem:$0x1B400] =	vst v63  }
0x90: {  	_ =	swait.ge [sflag:s15], $0xD800  }
0x91: {  	[sflag:s15] =	ssyncset.done $0x0  }
0x92: {  	[sflag:s15] =	ssyncadd.s32 $0xFFFF2800  }
0x93: {  	[hbm4b:s24+s2] =	stream.linear.scatter [tilespmem:s10], [sflag:$0x4], $0xD800, $0x38;
	[tilespmem:$0x1B400] =	vst v63  }
.Ltmp1:
0x94: {  	_ =	swait.ge [sflag:s13], $0xD800;
	(pc) =	sbr.rel @p0 .LBB2_1-.Ltmp1, $4  }
0x95: {  	[sflag:s13] =	ssyncset.done $0x0  }
0x96: {  	[sflag:s13] =	ssyncadd.s32 $0xFFFF2800  }
0x97: {  	_ =	swait.ge [sflag:s16], $0xD800  }
0x98: {  	[sflag:s16] =	ssyncset.done $0x0  }
.LBB2_2:
0x99: {  	[sflag:s16] =	ssyncadd.s32 $0xFFFF2800  }
0x9a: {  	_ =	sfence.sel $0x180000  }
0x9b: {  	[bflag:$0x0] =	sbarrier.arrive $0xFFFF  }
0x9c: {  	p0 =	sne.s32 s0, $0x0;
	_ =	strace $0x90000047  }
0x9d: {  	s0 =	sadd.s32 @!p0 $0x100000, s1;
	[bflag:$0x2] =	sbarrier.arrive $0xFFFF  }
0x9e: {  	[sflag:s0] =	ssyncadd.tile.s32 @!p0 $0x1;
	_ =	shalt  }
.Lfunc_end2:
_tile_overlayer_lowered:
.L_overlay_start_2:
0x9f: {  	(tag) =	ssettag $0x2  }
0xa0: {  	s0 =	rddreg [dreg:$0x0];
	s2 =	stileid.u32  }
0xa1: {  	s1 =	rddreg [dreg:$0x1];
	p0 =	sne.s32 s2, $0x0  }
0xa2: {  	s3 =	rddreg [dreg:$0x2];
	[bflag:$0x3] =	sbarrier.arrive $0xFFFF;
	s2 =	simm.s32 @!p0 $0x1C05  }
0xa3: {  	[timem:s3], [sflag:s2] =	dma.local @!p0 [hbm:s0], s1  }
0xa4: {  	s0 =	simm.s32 @!p0 $0x5  }
0xa5: {  	_ =	swait.ge @!p0 [sflag:s0], s1  }
0xa6: {  	s1 =	ssub.s32 @!p0 $0x0, s1;
	[sflag:s0] =	ssyncset.done @!p0 $0x0  }
0xa7: {  	[sflag:s0] =	ssyncadd.s32 @!p0 s1  }
0xa8: {  	[bflag:$0x3] =	sbarrier.arrive $0xFFFF  }
0xa9: {  	_ =	shalt  }

// kernel: kernel.7.cloned.1.call-start
scs
__scs_entry_jumppad:
0x0: {  	(pc) =	sbr.rel $0x88, $3  }
0x1: {  	(tag) =	ssettag $0x0;
	lr =	simm.s32 $0x1  }
0x2: {  	[smem:$0x3F9B] =	sst lr;
	_ =	strace $0xD0000000  }
0x3: {  	_ = 	snop  }
0x4: {  	_ = 	snop  }
0x5: {  	_ = 	snop  }
0x6: {  	_ = 	snop  }
0x7: {  	_ = 	snop  }
__scs_overlays_trampoline_lowered:
0x8: {  	[smem:$0x3FAA] =	sst s0  }
0x9: {  	[smem:$0x3FAB] =	sst s1  }
0xa: {  	[smem:$0x3FAC] =	sst s2  }
0xb: {  	[smem:$0x3FAD] =	sst s3  }
0xc: {  	[smem:$0x3FAE] =	sst s4  }
0xd: {  	[smem:$0x3FAF] =	sst s5  }
0xe: {  	[smem:$0x3FB0] =	sst s6  }
0xf: {  	[smem:$0x3FB1] =	sst s7  }
0x10: {  	[smem:$0x3FB2] =	sst s8  }
0x11: {  	[smem:$0x3FB3] =	sst s9;
	s0 =	simm.s32 @!p0 $0x0  }
0x12: {  	s1 =	sld [smem:$0x3F99];
	s0 =	simm.s32 @p0 $0x1  }
0x13: {  	[smem:$0x3FB4] =	sst s0;
	s0 =	simm.s32 @!p1 $0x0  }
0x14: {  	s2 =	sld [smem:$0x3F98];
	s0 =	simm.s32 @p1 $0x1  }
0x15: {  	[smem:$0x3FB5] =	sst s0;
	s0 =	simm.s32 @!p2 $0x0  }
0x16: {  	s3 =	sld [smem:$0x3FDB];
	s0 =	simm.s32 @p2 $0x1  }
0x17: {  	s4 =	simm.s32 $0x1BF5;
	[smem:$0x3FB7] =	sst s0  }
0x18: {  	s0 =	sld [smem:$0x3F9A];
	_ =	swait.ge [sflag:s4], $0x0  }
0x19: {  	s7 =	sld [smem:$0x3F9B]  }
0x1a: {  	s8 =	sadd.s32 $0xFFFFE003, lr  }
0x1b: {  	s9 =	sadd.s32 $0xFFFFFEF7, lr;
	s5 =	simm.s32 $0xFFFFFFFF;
	p2 =	slt.u32 s8, $0xFFFFF086  }
0x1c: {  	p1 =	slt.u32 s9, $0xF7A;
	s5 =	simm.s32 @!p2 $0x0  }
0x1d: {  	s5 =	simm.s32 @p1 $0x1;
	p0 =	seq.s32 s7, s2  }
0x1e: {  	s7 =	smul.u32 @!p0 $0xF7A, s2;
	p2 =	seq.s32 @!p0 s5, $0x0  }
0x1f: {  	s9 =	smul.u32 $0xF7A, s1;
	s8 =	simm.s32 @!p0 $0x1BF5;
	p2 =	por !p2, p0  }
0x20: {  	[sflag:s8] =	ssyncset.s32 @!p0 $0xFFFFF086;
	s6 =	sadd.s32 @!p0 s3, s7;
	s7 =	simm.s32 @!p0 $0x108  }
0x21: {  	s3 =	sadd.s32 s3, s9;
	s6 =	sadd.s32 @!p0 $0x88, s6;
	s7 =	simm.s32 @p2 $0x1082  }
0x22: {  	[simem:s7], [sflag:s8] =	dma.local @!p0 [hbm:s6], $0xF7A  }
0x23: {  	s9 =	sor.u32 $0xD0000000, s2;
	s6 =	simm.s32 $0x108;
	_ =	swait.ge @!p0 [sflag:s8], $0x0  }
0x24: {  	s3 =	sadd.s32 $0x88, s3;
	s6 =	simm.s32 @!p1 $0x1082;
	[sflag:s4] =	ssyncset.s32 $0xFFFFF086  }
0x25: {  	[simem:s6], [sflag:s4] =	dma.local [hbm:s3], $0xF7A  }
0x26: {  	[smem:$0x3F9B] =	sst s1;
	(tag) =	ssettag s2;
	_ =	strace s9  }
0x27: {  	s1 =	sld [smem:$0x3FAB]  }
0x28: {  	s2 =	sld [smem:$0x3FAC]  }
0x29: {  	s4 =	sld [smem:$0x3FAE]  }
0x2a: {  	p0 =	seq.s32 s5, $0x0;
	s5 =	sld [smem:$0x3FAF]  }
0x2b: {  	s6 =	sld [smem:$0x3FB0]  }
0x2c: {  	s7 =	sld [smem:$0x3FB1]  }
0x2d: {  	s3 =	simm.s32 $0x108;
	s8 =	sld [smem:$0x3FB2]  }
0x2e: {  	s3 =	simm.s32 @!p0 $0x1082;
	s9 =	sld [smem:$0x3FB3]  }
0x2f: {  	lr =	sadd.s32 s0, s3;
	s0 =	sld [smem:$0x3FAA]  }
0x30: {  	s3 =	sld [smem:$0x3FAD]  }
0x31: {  	[smem:$0x3FB6] =	sst s10  }
0x32: {  	s10 =	sld [smem:$0x3FB4];
	_ =	sdelay $0x3  }
0x33: {  	p0 =	seq.s32 s10, $0x1;
	s10 =	sld [smem:$0x3FB6];
	_ =	sdelay $0x3  }
0x34: {  	[smem:$0x3FB6] =	sst s10  }
0x35: {  	s10 =	sld [smem:$0x3FB5];
	_ =	sdelay $0x3  }
0x36: {  	p1 =	seq.s32 s10, $0x1;
	s10 =	sld [smem:$0x3FB6];
	_ =	sdelay $0x3  }
0x37: {  	[smem:$0x3FB6] =	sst s10  }
0x38: {  	s10 =	sld [smem:$0x3FB7]  }
0x39: {  	_ = 	snop;
	(pc) =	sbr.ind lr, $3  }
0x3a: {  	_ = 	snop  }
0x3b: {  	_ = 	snop  }
0x3c: {  	p2 =	seq.s32 s10, $0x1;
	s10 =	sld [smem:$0x3FB6]  }
0x3d: {  	_ =	shalt  }
0x3e: {  	_ =	shalt  }
0x3f: {  	_ =	shalt  }
0x40: {  	_ =	shalt  }
0x41: {  	_ =	shalt  }
0x42: {  	_ =	shalt  }
0x43: {  	_ =	shalt  }
0x44: {  	_ =	shalt  }
0x45: {  	_ =	shalt  }
0x46: {  	_ =	shalt  }
0x47: {  	_ =	shalt  }
0x48: {  	_ =	shalt  }
0x49: {  	_ =	shalt  }
0x4a: {  	_ =	shalt  }
0x4b: {  	_ =	shalt  }
0x4c: {  	_ =	shalt  }
0x4d: {  	_ =	shalt  }
0x4e: {  	_ =	shalt  }
0x4f: {  	_ =	shalt  }
0x50: {  	_ =	shalt  }
0x51: {  	_ =	shalt  }
0x52: {  	_ =	shalt  }
0x53: {  	_ =	shalt  }
0x54: {  	_ =	shalt  }
0x55: {  	_ =	shalt  }
0x56: {  	_ =	shalt  }
0x57: {  	_ =	shalt  }
0x58: {  	_ =	shalt  }
0x59: {  	_ =	shalt  }
0x5a: {  	_ =	shalt  }
0x5b: {  	_ =	shalt  }
0x5c: {  	_ =	shalt  }
0x5d: {  	_ =	shalt  }
0x5e: {  	_ =	shalt  }
0x5f: {  	_ =	shalt  }
0x60: {  	_ =	shalt  }
0x61: {  	_ =	shalt  }
0x62: {  	_ =	shalt  }
0x63: {  	_ =	shalt  }
0x64: {  	_ =	shalt  }
0x65: {  	_ =	shalt  }
0x66: {  	_ =	shalt  }
0x67: {  	_ =	shalt  }
0x68: {  	_ =	shalt  }
0x69: {  	_ =	shalt  }
0x6a: {  	_ =	shalt  }
0x6b: {  	_ =	shalt  }
0x6c: {  	_ =	shalt  }
0x6d: {  	_ =	shalt  }
0x6e: {  	_ =	shalt  }
0x6f: {  	_ =	shalt  }
0x70: {  	_ =	shalt  }
0x71: {  	_ =	shalt  }
0x72: {  	_ =	shalt  }
0x73: {  	_ =	shalt  }
0x74: {  	_ =	shalt  }
0x75: {  	_ =	shalt  }
0x76: {  	_ =	shalt  }
0x77: {  	_ =	shalt  }
0x78: {  	_ =	shalt  }
0x79: {  	_ =	shalt  }
0x7a: {  	_ =	shalt  }
0x7b: {  	_ =	shalt  }
0x7c: {  	_ =	shalt  }
0x7d: {  	_ =	shalt  }
0x7e: {  	_ =	shalt  }
0x7f: {  	_ =	shalt  }
0x80: {  	_ =	shalt  }
0x81: {  	_ =	shalt  }
0x82: {  	_ =	shalt  }
0x83: {  	_ =	shalt  }
0x84: {  	_ =	shalt  }
0x85: {  	_ =	shalt  }
0x86: {  	_ =	shalt  }
0x87: {  	_ =	shalt  }
.Lfunc_end0:
.L_simem_size_0:
called_computation_lowered:
.L_overlay_start_0:
0x88: {  	s2 =	sld [smem:$0x3FD9]  }
0x89: {  	s3 =	sld [smem:$0x3FFE];
	_ =	sdelay $0x1  }
0x8a: {  	s1 =	srdreg.scid  }
0x8b: {  	s0 =	sand.u32 $0x1, s1  }
0x8c: {  	s17 =	sshll.u32 s0, $0xA;
	s2 =	sadd.s32 s3, s2  }
0x8d: {  	s2 =	sadd.s32 s2, s17  }
0x8e: {  	[smem:$0x3FC2] =	sst s2  }
0x8f: {  	_ = 	snop  }
0x90: {  	s18 =	sld [smem:$0x3FD0];
	(tm) =	ssettm $0x1  }
0x91: {  	s19 =	sld [smem:$0x3FFB];
	_ =	sdelay $0x3  }
0x92: {  	_ =	strace s19  }
0x93: {  	s2 =	sld [smem:$0x3FFC];
	_ =	sdelay $0x3  }
0x94: {  	_ =	strace s2  }
0x95: {  	s2 =	sld [smem:$0x3FFD];
	_ =	sdelay $0x3  }
0x96: {  	_ =	strace s2  }
0x97: {  	_ =	strace $0x8FFFFFFF  }
0x98: {  	s20 =	sld [smem:$0x3FDB];
	_ =	sdelay $0x1  }
0x99: {  	s4 =	simm.s32 $_scs_section_size  }
0x9a: {  	s5 =	simm.s32 $_size__tile_overlayer_lowered;
	s6 =	simm.s32 $_tile_overlayer_lowered  }
0x9b: {  	s7 =	simm.s32 $0x1BFF;
	s21 =	sshll.u32 s6, $0x1;
	s4 =	sadd.s32 s4, s20  }
0x9c: {  	s22 =	simm.s32 $0x0;
	s5 =	sshll.u32 s5, $0x1;
	s6 =	sadd.s32 s21, s4  }
0x9d: {  	[timem:s22], [sflag:s7] =	dma.local [hbm:s6], s5  }
0x9e: {  	_ =	swait.ge [sflag:s7], s5  }
0x9f: {  	s5 =	ssub.s32 $0x0, s5;
	[sflag:s7] =	ssyncset.done $0x0  }
0xa0: {  	[sflag:s7] =	ssyncadd.s32 s5;
	_ =	sdelay $0x1  }
0xa1: {  	s23 =	simm.s32 $0x1B8B  }
0xa2: {  	_ =	swait.ge [sflag:s23], $0x1  }
0xa3: {  	[sflag:s23] =	ssyncset.done $0x0  }
0xa4: {  	[sflag:s23] =	ssyncadd.s32 $0xFFFFFFFF  }
0xa5: {  	s5 =	sld [smem:$0x0]  }
0xa6: {  	s6 =	sand.u32 $0xFFFFFFFE, s1  }
0xa7: {  	p0 =	sne.s32 s1, s6  }
0xa8: {  	s6 =	sshll.u32 @p0 s6, $0xE  }
0xa9: {  	s6 =	sadd.s32 @p0 $0x11B8D, s6;
	s7 =	sshll.u32 @p0 s5, $0x11  }
0xaa: {  	s6 =	sor.u32 @p0 s7, s6  }
0xab: {  	[sflag:s6] =	ssyncadd.remote.s32 @p0 $0x1;
	_ =	sdelay $0x1  }
0xac: {  	s6 =	simm.s32 @p0 $0x1B8D  }
0xad: {  	_ =	swait.eq @p0 [sflag:s6], $0x1  }
0xae: {  	[sflag:s6] =	ssyncadd.s32 @p0 $0xFFFFFFFF  }
0xaf: {  	s7 =	sshll.u32 @!p0 s1, $0xE  }
0xb0: {  	s7 =	sor.u32 @!p0 $0x4000, s7;
	s6 =	simm.s32 @!p0 $0x1B8D  }
0xb1: {  	s5 =	sshll.u32 @!p0 s5, $0x11;
	s7 =	sadd.s32 @!p0 $0x11B8D, s7;
	_ =	swait.eq @!p0 [sflag:s6], $0x1  }
0xb2: {  	s5 =	sor.u32 @!p0 s5, s7;
	[sflag:s6] =	ssyncadd.s32 @!p0 $0xFFFFFFFF  }
0xb3: {  	s25 =	simm.s32 $0x1B8E;
	s24 =	sld [smem:$0x3FFE];
	[sflag:s5] =	ssyncadd.remote.s32 @!p0 $0x1  }
0xb4: {  	s26 =	simm.s32 $execute0_lowered;
	[smem:$0x3FD2] =	sst s25  }
0xb5: {  	s6 =	sshll.u32 s26, $0x1;
	_ =	strace $0x80000049;
	[dreg:$0x1] =	wrdreg $0xFFFFFFFF  }
0xb6: {  	s28 =	simm.s32 $_size_execute0_lowered;
	s4 =	sadd.s32 s4, s6;
	[dreg:$0x0] =	wrdreg $0x0  }
0xb7: {  	s6 =	sshll.u32 s28, $0x1;
	[dreg:$0x2] =	wrdreg s4  }
0xb8: {  	[dreg:$0x3] =	wrdreg s6  }
0xb9: {  	[dreg:$0x4] =	wrdreg $0xC0  }
0xba: {  	_ =	task [dreg:s22], $0x5FFFF  }
0xbb: {  	[dreg:$0x1] =	wrdreg $0xFFFFFFFF  }
0xbc: {  	[dreg:$0x0] =	wrdreg $0x60  }
0xbd: {  	[dreg:$0x2] =	wrdreg s24  }
0xbe: {  	[dreg:$0x3] =	wrdreg s18  }
0xbf: {  	[dreg:$0x4] =	wrdreg $0x9  }
0xc0: {  	_ =	task.clear_ibuf [dreg:s22], $0x5FFFF;
	_ =	strace $0x90000049  }
0xc1: {  	s29 =	simm.s32 $0x9;
	_ =	strace $0x8000004B  }
0xc2: {  	_ =	swait.ge [sflag:s29], $0x1  }
0xc3: {  	[sflag:s29] =	ssyncadd.s32 $0xFFFFFFFF  }
0xc4: {  	_ =	strace $0x9000004B  }
0xc5: {  	_ =	sfence  }
0xc6: {  	s30 =	sld [smem:$0x0];
	_ =	sdelay $0x2  }
0xc7: {  	s31 =	sshll.u32 s1, $0xD;
	s1 =	sshrl.u32 s1, $0x2  }
0xc8: {  	s4 =	sand.u32 $0x4000, s31;
	s1 =	sadd.s32 s1, s30  }
0xc9: {  	s0 =	sor.u32 s4, s0;
	s1 =	sshll.u32 s1, $0x11  }
0xca: {  	s0 =	sor.u32 s1, s0  }
0xcb: {  	s0 =	sadd.s32 $0x8F2B, s0  }
0xcc: {  	[sflag:s0] =	ssyncadd.remote.s32 $0x1  }
0xcd: {  	_ =	sfence.sel $0xFFFF  }
0xce: {  	[dreg:$0x0] =	wrdreg $0xFFFFFFFF;
	(pc) =	sbr.abs _section_cstart, $3  }
0xcf: {  	[dreg:$0x1] =	wrdreg $0xFFFFFFFF  }
0xd0: {  	_ =	task.clear_ibuf [dreg:s22], $0x2FFFF;
	_ =	strace $0x9FFFFFFF  }
0xd1: {  	(tm) =	ssettm $0x7FFFFFFF  }
tec
execute0_lowered:
.L_overlay_start_1:
0x0: {  	(tag) =	ssettag $0x1  }
0x1: {  	s4 =	rddreg [dreg:$0x0]  }
0x2: {  	s1 =	srdreg.scid;
	s0 =	stileid.u32  }
0x3: {  	s2 =	simm.s32 $0x0;
	s1 =	sand.u32 $0x1, s1;
	s3 =	sshll.u32 s0, $0x1  }
0x4: {  	[smem:$0x7FF] =	sst s2;
	s3 =	sor.u32 s1, s3  }
0x5: {  	s31 =	sadd.s32 $0x172C00, s4;
	[dreg:$0xd] =	wrdreg s1;
	s30 =	smul.u32 $0x17A0, s3  }
0x6: {  	s29 =	rddreg [dreg:$0x1];
	_ =	strace $0x8000004A;
	s3 =	smul.u32 $0x17A00, s3  }
0x7: {  	s5 =	sshrl.u32 s30, $0x3;
	s6 =	sadd.s32 $0x1B0, s30;
	s0 =	sadd.s32 $0x360, s30  }
0x8: {  	s3 =	sadd.s32 s31, s3;
	s10 =	sadd.s32 $0x510, s30;
	s13 =	sadd.s32 $0x6C0, s30  }
0x9: {  	s5 =	sadd.s32 s29, s5;
	s7 =	sshrl.u32 s6, $0x3;
	[dreg:$0x5] =	wrdreg s3  }
0xa: {  	s1 =	sshrl.u32 s0, $0x3;
	[dreg:$0x3] =	wrdreg s5;
	s26 =	sadd.s32 s29, s7  }
0xb: {  	s8 =	sshll.u32 s6, $0x4;
	s5 =	sadd.s32 s29, s1;
	[dreg:$0x4] =	wrdreg s26  }
0xc: {  	s11 =	sshrl.u32 s10, $0x3;
	s9 =	sadd.s32 s31, s8;
	[dreg:$0x6] =	wrdreg s5  }
0xd: {  	s12 =	sshll.u32 s0, $0x4;
	s3 =	sadd.s32 s29, s11;
	[dreg:$0x7] =	wrdreg s9  }
0xe: {  	s15 =	sshrl.u32 s13, $0x3;
	s14 =	sadd.s32 s31, s12;
	[dreg:$0x8] =	wrdreg s3  }
0xf: {  	s16 =	sadd.s32 s29, s15;
	[dreg:$0x9] =	wrdreg s14  }
0x10: {  	s17 =	sshll.u32 s10, $0x4;
	s15 =	sadd.s32 $0x870, s30;
	[dreg:$0xa] =	wrdreg s16  }
0x11: {  	s3 =	sadd.s32 s31, s17;
	s18 =	sshrl.u32 s15, $0x3;
	s19 =	rddreg [dreg:$0x3]  }
0x12: {  	[dreg:$0xb] =	wrdreg s3;
	s20 =	sadd.s32 s29, s18  }
0x13: {  	[tilespmem:s2], [sflag:$0x5] =	stream.linear.gather [hbm4b:s19+s2], $0x1B0, $0x38;
	[tilespmem:$0x1B400] =	vst v63  }
0x14: {  	s3 =	simm.s32 $0x5;
	[dreg:$0xc] =	wrdreg s20  }
0x15: {  	_ =	swait.ge [sflag:s3], $0x1B0  }
0x16: {  	s4 =	sadd.s32 $0x3A00, s4;
	[sflag:s3] =	ssyncset.done $0x0  }
0x17: {  	s6 =	simm.s32 $0x400;
	s5 =	simm.s32 $0x1B0;
	[sflag:s3] =	ssyncadd.s32 $0xFFFFFE50  }
0x18: {  	[tilespmem:s6], [sflag:$0x1] =	stream.indirect.gather [hbm4b:s4+s5], $0x80, s2, s5, $0xb8;
	[tilespmem:$0x1B400] =	vst v63  }
0x19: {  	s7 =	simm.s32 $0x200;
	s8 =	rddreg [dreg:$0x4]  }
0x1a: {  	[tilespmem:s7], [sflag:$0x5] =	stream.linear.gather [hbm4b:s8+s2], $0x1B0, $0x38;
	[tilespmem:$0x1B400] =	vst v63  }
0x1b: {  	_ =	swait.ge [sflag:s3], $0x1B0  }
0x1c: {  	[sflag:s3] =	ssyncset.done $0x0  }
0x1d: {  	s9 =	simm.s32 $0x1;
	s8 =	simm.s32 $0xDC00;
	[sflag:s3] =	ssyncadd.s32 $0xFFFFFE50  }
0x1e: {  	[tilespmem:s8], [sflag:$0x2] =	stream.indirect.gather [hbm4b:s4+s5], $0x80, s7, s5, $0xb8;
	[tilespmem:$0x1B400] =	vst v63  }
0x1f: {  	_ =	swait.ge [sflag:s9], $0xD800  }
0x20: {  	[sflag:s9] =	ssyncset.done $0x0  }
0x21: {  	s10 =	simm.s32 $0x3;
	s11 =	rddreg [dreg:$0x5];
	[sflag:s9] =	ssyncadd.s32 $0xFFFF2800  }
0x22: {  	[hbm4b:s11+s2] =	stream.linear.scatter [tilespmem:s6], [sflag:$0x3], $0xD800, $0x38;
	[tilespmem:$0x1B400] =	vst v63  }
0x23: {  	_ =	swait.ge [sflag:s10], $0xD800  }
0x24: {  	[sflag:s10] =	ssyncset.done $0x0  }
0x25: {  	s21 =	rddreg [dreg:$0x6];
	[sflag:s10] =	ssyncadd.s32 $0xFFFF2800  }
0x26: {  	[tilespmem:s2], [sflag:$0x5] =	stream.linear.gather [hbm4b:s21+s2], $0x1B0, $0x38;
	[tilespmem:$0x1B400] =	vst v63  }
0x27: {  	_ =	swait.ge [sflag:s3], $0x1B0  }
0x28: {  	[sflag:s3] =	ssyncset.done $0x0  }
0x29: {  	s11 =	simm.s32 $0x2;
	[sflag:s3] =	ssyncadd.s32 $0xFFFFFE50  }
0x2a: {  	[tilespmem:s6], [sflag:$0x1] =	stream.indirect.gather [hbm4b:s4+s5], $0x80, s2, s5, $0xb8;
	[tilespmem:$0x1B400] =	vst v63  }
0x2b: {  	_ =	swait.ge [sflag:s11], $0xD800  }
0x2c: {  	[sflag:s11] =	ssyncset.done $0x0  }
0x2d: {  	s12 =	simm.s32 $0x4;
	s14 =	rddreg [dreg:$0x7];
	[sflag:s11] =	ssyncadd.s32 $0xFFFF2800  }
0x2e: {  	[hbm4b:s14+s2] =	stream.linear.scatter [tilespmem:s8], [sflag:$0x4], $0xD800, $0x38;
	[tilespmem:$0x1B400] =	vst v63  }
0x2f: {  	_ =	swait.ge [sflag:s12], $0xD800  }
0x30: {  	[sflag:s12] =	ssyncset.done $0x0  }
0x31: {  	s22 =	rddreg [dreg:$0x8];
	[sflag:s12] =	ssyncadd.s32 $0xFFFF2800  }
0x32: {  	[tilespmem:s7], [sflag:$0x5] =	stream.linear.gather [hbm4b:s22+s2], $0x1B0, $0x38;
	[tilespmem:$0x1B400] =	vst v63  }
0x33: {  	_ =	swait.ge [sflag:s3], $0x1B0  }
0x34: {  	[sflag:s3] =	ssyncset.done $0x0  }
0x35: {  	[sflag:s3] =	ssyncadd.s32 $0xFFFFFE50  }
0x36: {  	[tilespmem:s8], [sflag:$0x2] =	stream.indirect.gather [hbm4b:s4+s5], $0x80, s7, s5, $0xb8;
	[tilespmem:$0x1B400] =	vst v63  }
0x37: {  	_ =	swait.ge [sflag:s9], $0xD800  }
0x38: {  	[sflag:s9] =	ssyncset.done $0x0  }
0x39: {  	s23 =	rddreg [dreg:$0x9];
	[sflag:s9] =	ssyncadd.s32 $0xFFFF2800  }
0x3a: {  	[hbm4b:s23+s2] =	stream.linear.scatter [tilespmem:s6], [sflag:$0x3], $0xD800, $0x38;
	[tilespmem:$0x1B400] =	vst v63  }
0x3b: {  	_ =	swait.ge [sflag:s10], $0xD800  }
0x3c: {  	[sflag:s10] =	ssyncset.done $0x0  }
0x3d: {  	s24 =	rddreg [dreg:$0xa];
	[sflag:s10] =	ssyncadd.s32 $0xFFFF2800  }
0x3e: {  	[tilespmem:s2], [sflag:$0x5] =	stream.linear.gather [hbm4b:s24+s2], $0x1B0, $0x38;
	[tilespmem:$0x1B400] =	vst v63  }
0x3f: {  	_ =	swait.ge [sflag:s3], $0x1B0  }
0x40: {  	[sflag:s3] =	ssyncset.done $0x0  }
0x41: {  	[sflag:s3] =	ssyncadd.s32 $0xFFFFFE50  }
0x42: {  	[tilespmem:s6], [sflag:$0x1] =	stream.indirect.gather [hbm4b:s4+s5], $0x80, s2, s5, $0xb8;
	[tilespmem:$0x1B400] =	vst v63  }
0x43: {  	_ =	swait.ge [sflag:s11], $0xD800  }
0x44: {  	[sflag:s11] =	ssyncset.done $0x0  }
0x45: {  	s25 =	rddreg [dreg:$0xb];
	[sflag:s11] =	ssyncadd.s32 $0xFFFF2800  }
0x46: {  	[hbm4b:s25+s2] =	stream.linear.scatter [tilespmem:s8], [sflag:$0x4], $0xD800, $0x38;
	[tilespmem:$0x1B400] =	vst v63  }
0x47: {  	_ =	swait.ge [sflag:s12], $0xD800  }
0x48: {  	[sflag:s12] =	ssyncset.done $0x0  }
0x49: {  	s26 =	rddreg [dreg:$0xc];
	[sflag:s12] =	ssyncadd.s32 $0xFFFF2800  }
0x4a: {  	[tilespmem:s7], [sflag:$0x5] =	stream.linear.gather [hbm4b:s26+s2], $0x1B0, $0x38;
	[tilespmem:$0x1B400] =	vst v63  }
0x4b: {  	_ =	swait.ge [sflag:s3], $0x1B0  }
0x4c: {  	[sflag:s3] =	ssyncset.done $0x0  }
0x4d: {  	[sflag:s3] =	ssyncadd.s32 $0xFFFFFE50  }
0x4e: {  	[tilespmem:s8], [sflag:$0x2] =	stream.indirect.gather [hbm4b:s4+s5], $0x80, s7, s5, $0xb8;
	[tilespmem:$0x1B400] =	vst v63  }
0x4f: {  	_ =	swait.ge [sflag:s9], $0xD800  }
0x50: {  	s13 =	sshll.u32 s13, $0x4;
	[sflag:s9] =	ssyncset.done $0x0  }
0x51: {  	s13 =	sadd.s32 s31, s13;
	[sflag:s9] =	ssyncadd.s32 $0xFFFF2800  }
0x52: {  	[hbm4b:s13+s2] =	stream.linear.scatter [tilespmem:s6], [sflag:$0x3], $0xD800, $0x38;
	[tilespmem:$0x1B400] =	vst v63  }
0x53: {  	s17 =	sadd.s32 $0xA20, s30;
	_ =	swait.ge [sflag:s10], $0xD800  }
0x54: {  	s0 =	sshrl.u32 s17, $0x3;
	[sflag:s10] =	ssyncset.done $0x0  }
0x55: {  	s14 =	sadd.s32 s29, s0;
	[sflag:s10] =	ssyncadd.s32 $0xFFFF2800  }
0x56: {  	[tilespmem:s2], [sflag:$0x5] =	stream.linear.gather [hbm4b:s14+s2], $0x1B0, $0x38;
	[tilespmem:$0x1B400] =	vst v63  }
0x57: {  	_ =	swait.ge [sflag:s3], $0x1B0  }
0x58: {  	[sflag:s3] =	ssyncset.done $0x0  }
0x59: {  	[sflag:s3] =	ssyncadd.s32 $0xFFFFFE50  }
0x5a: {  	[tilespmem:s6], [sflag:$0x1] =	stream.indirect.gather [hbm4b:s4+s5], $0x80, s2, s5, $0xb8;
	[tilespmem:$0x1B400] =	vst v63  }
0x5b: {  	_ =	swait.ge [sflag:s11], $0xD800  }
0x5c: {  	s15 =	sshll.u32 s15, $0x4;
	[sflag:s11] =	ssyncset.done $0x0  }
0x5d: {  	s15 =	sadd.s32 s31, s15;
	[sflag:s11] =	ssyncadd.s32 $0xFFFF2800  }
0x5e: {  	[hbm4b:s15+s2] =	stream.linear.scatter [tilespmem:s8], [sflag:$0x4], $0xD800, $0x38;
	[tilespmem:$0x1B400] =	vst v63  }
0x5f: {  	s19 =	sadd.s32 $0xBD0, s30;
	_ =	swait.ge [sflag:s12], $0xD800  }
0x60: {  	s16 =	sshrl.u32 s19, $0x3;
	[sflag:s12] =	ssyncset.done $0x0  }
0x61: {  	s16 =	sadd.s32 s29, s16;
	[sflag:s12] =	ssyncadd.s32 $0xFFFF2800  }
0x62: {  	[tilespmem:s7], [sflag:$0x5] =	stream.linear.gather [hbm4b:s16+s2], $0x1B0, $0x38;
	[tilespmem:$0x1B400] =	vst v63  }
0x63: {  	_ =	swait.ge [sflag:s3], $0x1B0  }
0x64: {  	[sflag:s3] =	ssyncset.done $0x0  }
0x65: {  	[sflag:s3] =	ssyncadd.s32 $0xFFFFFE50  }
0x66: {  	[tilespmem:s8], [sflag:$0x2] =	stream.indirect.gather [hbm4b:s4+s5], $0x80, s7, s5, $0xb8;
	[tilespmem:$0x1B400] =	vst v63  }
0x67: {  	_ =	swait.ge [sflag:s9], $0xD800  }
0x68: {  	s17 =	sshll.u32 s17, $0x4;
	[sflag:s9] =	ssyncset.done $0x0  }
0x69: {  	s17 =	sadd.s32 s31, s17;
	[sflag:s9] =	ssyncadd.s32 $0xFFFF2800  }
0x6a: {  	[hbm4b:s17+s2] =	stream.linear.scatter [tilespmem:s6], [sflag:$0x3], $0xD800, $0x38;
	[tilespmem:$0x1B400] =	vst v63  }
0x6b: {  	s21 =	sadd.s32 $0xD80, s30;
	_ =	swait.ge [sflag:s10], $0xD800  }
0x6c: {  	s18 =	sshrl.u32 s21, $0x3;
	[sflag:s10] =	ssyncset.done $0x0  }
0x6d: {  	s18 =	sadd.s32 s29, s18;
	[sflag:s10] =	ssyncadd.s32 $0xFFFF2800  }
0x6e: {  	[tilespmem:s2], [sflag:$0x5] =	stream.linear.gather [hbm4b:s18+s2], $0x1B0, $0x38;
	[tilespmem:$0x1B400] =	vst v63  }
0x6f: {  	_ =	swait.ge [sflag:s3], $0x1B0  }
0x70: {  	[sflag:s3] =	ssyncset.done $0x0  }
0x71: {  	[sflag:s3] =	ssyncadd.s32 $0xFFFFFE50  }
0x72: {  	[tilespmem:s6], [sflag:$0x1] =	stream.indirect.gather [hbm4b:s4+s5], $0x80, s2, s5, $0xb8;
	[tilespmem:$0x1B400] =	vst v63  }
0x73: {  	_ =	swait.ge [sflag:s11], $0xD800  }
0x74: {  	s19 =	sshll.u32 s19, $0x4;
	[sflag:s11] =	ssyncset.done $0x0  }
0x75: {  	s19 =	sadd.s32 s31, s19;
	[sflag:s11] =	ssyncadd.s32 $0xFFFF2800  }
0x76: {  	[hbm4b:s19+s2] =	stream.linear.scatter [tilespmem:s8], [sflag:$0x4], $0xD800, $0x38;
	[tilespmem:$0x1B400] =	vst v63  }
0x77: {  	s23 =	sadd.s32 $0xF30, s30;
	_ =	swait.ge [sflag:s12], $0xD800  }
0x78: {  	s20 =	sshrl.u32 s23, $0x3;
	[sflag:s12] =	ssyncset.done $0x0  }
0x79: {  	s20 =	sadd.s32 s29, s20;
	[sflag:s12] =	ssyncadd.s32 $0xFFFF2800  }
0x7a: {  	[tilespmem:s7], [sflag:$0x5] =	stream.linear.gather [hbm4b:s20+s2], $0x1B0, $0x38;
	[tilespmem:$0x1B400] =	vst v63  }
0x7b: {  	_ =	swait.ge [sflag:s3], $0x1B0  }
0x7c: {  	[sflag:s3] =	ssyncset.done $0x0  }
0x7d: {  	[sflag:s3] =	ssyncadd.s32 $0xFFFFFE50  }
0x7e: {  	[tilespmem:s8], [sflag:$0x2] =	stream.indirect.gather [hbm4b:s4+s5], $0x80, s7, s5, $0xb8;
	[tilespmem:$0x1B400] =	vst v63  }
0x7f: {  	_ =	swait.ge [sflag:s9], $0xD800  }
0x80: {  	s21 =	sshll.u32 s21, $0x4;
	[sflag:s9] =	ssyncset.done $0x0  }
0x81: {  	s21 =	sadd.s32 s31, s21;
	[sflag:s9] =	ssyncadd.s32 $0xFFFF2800  }
0x82: {  	[hbm4b:s21+s2] =	stream.linear.scatter [tilespmem:s6], [sflag:$0x3], $0xD800, $0x38;
	[tilespmem:$0x1B400] =	vst v63  }
0x83: {  	s25 =	sadd.s32 $0x10E0, s30;
	_ =	swait.ge [sflag:s10], $0xD800  }
0x84: {  	s22 =	sshrl.u32 s25, $0x3;
	[sflag:s10] =	ssyncset.done $0x0  }
0x85: {  	s22 =	sadd.s32 s29, s22;
	[sflag:s10] =	ssyncadd.s32 $0xFFFF2800  }
0x86: {  	[tilespmem:s2], [sflag:$0x5] =	stream.linear.gather [hbm4b:s22+s2], $0x1B0, $0x38;
	[tilespmem:$0x1B400] =	vst v63  }
0x87: {  	_ =	swait.ge [sflag:s3], $0x1B0  }
0x88: {  	[sflag:s3] =	ssyncset.done $0x0  }
0x89: {  	[sflag:s3] =	ssyncadd.s32 $0xFFFFFE50  }
0x8a: {  	[tilespmem:s6], [sflag:$0x1] =	stream.indirect.gather [hbm4b:s4+s5], $0x80, s2, s5, $0xb8;
	[tilespmem:$0x1B400] =	vst v63  }
0x8b: {  	_ =	swait.ge [sflag:s11], $0xD800  }
0x8c: {  	s23 =	sshll.u32 s23, $0x4;
	[sflag:s11] =	ssyncset.done $0x0  }
0x8d: {  	s23 =	sadd.s32 s31, s23;
	[sflag:s11] =	ssyncadd.s32 $0xFFFF2800  }
0x8e: {  	[hbm4b:s23+s2] =	stream.linear.scatter [tilespmem:s8], [sflag:$0x4], $0xD800, $0x38;
	[tilespmem:$0x1B400] =	vst v63  }
0x8f: {  	s28 =	sadd.s32 $0x1290, s30;
	_ =	swait.ge [sflag:s12], $0xD800  }
0x90: {  	s24 =	sshrl.u32 s28, $0x3;
	[sflag:s12] =	ssyncset.done $0x0  }
0x91: {  	s24 =	sadd.s32 s29, s24;
	[sflag:s12] =	ssyncadd.s32 $0xFFFF2800  }
0x92: {  	[tilespmem:s7], [sflag:$0x5] =	stream.linear.gather [hbm4b:s24+s2], $0x1B0, $0x38;
	[tilespmem:$0x1B400] =	vst v63  }
0x93: {  	_ =	swait.ge [sflag:s3], $0x1B0  }
0x94: {  	[sflag:s3] =	ssyncset.done $0x0  }
0x95: {  	[sflag:s3] =	ssyncadd.s32 $0xFFFFFE50  }
0x96: {  	[tilespmem:s8], [sflag:$0x2] =	stream.indirect.gather [hbm4b:s4+s5], $0x80, s7, s5, $0xb8;
	[tilespmem:$0x1B400] =	vst v63  }
0x97: {  	_ =	swait.ge [sflag:s9], $0xD800  }
0x98: {  	s25 =	sshll.u32 s25, $0x4;
	[sflag:s9] =	ssyncset.done $0x0  }
0x99: {  	s25 =	sadd.s32 s31, s25;
	[sflag:s9] =	ssyncadd.s32 $0xFFFF2800  }
0x9a: {  	[hbm4b:s25+s2] =	stream.linear.scatter [tilespmem:s6], [sflag:$0x3], $0xD800, $0x38;
	[tilespmem:$0x1B400] =	vst v63  }
0x9b: {  	s1 =	sadd.s32 $0x1440, s30;
	_ =	swait.ge [sflag:s10], $0xD800  }
0x9c: {  	s26 =	sshrl.u32 s1, $0x3;
	[sflag:s10] =	ssyncset.done $0x0  }
0x9d: {  	s26 =	sadd.s32 s29, s26;
	[sflag:s10] =	ssyncadd.s32 $0xFFFF2800  }
0x9e: {  	[tilespmem:s2], [sflag:$0x5] =	stream.linear.gather [hbm4b:s26+s2], $0x1B0, $0x38;
	[tilespmem:$0x1B400] =	vst v63  }
0x9f: {  	_ =	swait.ge [sflag:s3], $0x1B0  }
0xa0: {  	[sflag:s3] =	ssyncset.done $0x0  }
0xa1: {  	[sflag:s3] =	ssyncadd.s32 $0xFFFFFE50  }
0xa2: {  	[tilespmem:s6], [sflag:$0x1] =	stream.indirect.gather [hbm4b:s4+s5], $0x80, s2, s5, $0xb8;
	[tilespmem:$0x1B400] =	vst v63  }
0xa3: {  	_ =	swait.ge [sflag:s11], $0xD800  }
0xa4: {  	s28 =	sshll.u32 s28, $0x4;
	[sflag:s11] =	ssyncset.done $0x0  }
0xa5: {  	s28 =	sadd.s32 s31, s28;
	[sflag:s11] =	ssyncadd.s32 $0xFFFF2800  }
0xa6: {  	[hbm4b:s28+s2] =	stream.linear.scatter [tilespmem:s8], [sflag:$0x4], $0xD800, $0x38;
	[tilespmem:$0x1B400] =	vst v63  }
0xa7: {  	s0 =	sadd.s32 $0x15F0, s30;
	_ =	swait.ge [sflag:s12], $0xD800  }
0xa8: {  	s30 =	sshrl.u32 s0, $0x3;
	[sflag:s12] =	ssyncset.done $0x0  }
0xa9: {  	s29 =	sadd.s32 s29, s30;
	[sflag:s12] =	ssyncadd.s32 $0xFFFF2800  }
0xaa: {  	[tilespmem:s7], [sflag:$0x5] =	stream.linear.gather [hbm4b:s29+s2], $0x1B0, $0x38;
	[tilespmem:$0x1B400] =	vst v63  }
0xab: {  	_ =	swait.ge [sflag:s3], $0x1B0  }
0xac: {  	[sflag:s3] =	ssyncset.done $0x0  }
0xad: {  	[sflag:s3] =	ssyncadd.s32 $0xFFFFFE50  }
0xae: {  	[tilespmem:s8], [sflag:$0x2] =	stream.indirect.gather [hbm4b:s4+s5], $0x80, s7, s5, $0xb8;
	[tilespmem:$0x1B400] =	vst v63  }
0xaf: {  	_ =	swait.ge [sflag:s9], $0xD800  }
0xb0: {  	s1 =	sshll.u32 s1, $0x4;
	[sflag:s9] =	ssyncset.done $0x0  }
0xb1: {  	s30 =	sadd.s32 s31, s1;
	[sflag:s9] =	ssyncadd.s32 $0xFFFF2800  }
0xb2: {  	[hbm4b:s30+s2] =	stream.linear.scatter [tilespmem:s6], [sflag:$0x3], $0xD800, $0x38;
	[tilespmem:$0x1B400] =	vst v63  }
0xb3: {  	_ =	swait.ge [sflag:s11], $0xD800  }
0xb4: {  	s0 =	sshll.u32 s0, $0x4;
	[sflag:s11] =	ssyncset.done $0x0;
	s1 =	rddreg [dreg:$0xd]  }
0xb5: {  	s31 =	sadd.s32 s31, s0;
	s0 =	ssub.s32 $0x2, s1;
	[sflag:s11] =	ssyncadd.s32 $0xFFFF2800  }
0xb6: {  	[hbm4b:s31+s2] =	stream.linear.scatter [tilespmem:s8], [sflag:$0x4], $0xD800, $0x38;
	[tilespmem:$0x1B400] =	vst v63  }
0xb7: {  	s1 =	sshrl.u32 s0, $0x1  }
0xb8: {  	s0 =	ssub.s32 s0, s1  }
0xb9: {  	s0 =	smax.u32 s0, $0x1  }
0xba: {  	p0 =	sne.s32 s0, $0x1  }
.Ltmp0:
0xbb: {  	_ =	swait.ge [sflag:s10], $0xD800;
	(pc) =	sbr.rel @!p0 .LBB2_2-.Ltmp0, $4  }
0xbc: {  	[sflag:s10] =	ssyncset.done $0x0  }
0xbd: {  	[sflag:s10] =	ssyncadd.s32 $0xFFFF2800  }
0xbe: {  	_ =	swait.ge [sflag:s12], $0xD800  }
0xbf: {  	s1 =	sadd.s32 $0xFFFFFFFF, s0;
	[sflag:s12] =	ssyncset.done $0x0  }
.LBB2_1:
0xc0: {  	s0 =	rddreg [dreg:$0x3];
	[sflag:s12] =	ssyncadd.s32 $0xFFFF2800  }
0xc1: {  	[tilespmem:s2], [sflag:$0x5] =	stream.linear.gather [hbm4b:s0+s2], $0x1B0, $0x38;
	[tilespmem:$0x1B400] =	vst v63  }
0xc2: {  	_ =	swait.ge [sflag:s3], $0x1B0  }
0xc3: {  	[sflag:s3] =	ssyncset.done $0x0  }
0xc4: {  	[sflag:s3] =	ssyncadd.s32 $0xFFFFFE50  }
0xc5: {  	[tilespmem:s6], [sflag:$0x1] =	stream.indirect.gather [hbm4b:s4+s5], $0x80, s2, s5, $0xb8;
	[tilespmem:$0x1B400] =	vst v63  }
0xc6: {  	s0 =	rddreg [dreg:$0x4]  }
0xc7: {  	[tilespmem:s7], [sflag:$0x5] =	stream.linear.gather [hbm4b:s0+s2], $0x1B0, $0x38;
	[tilespmem:$0x1B400] =	vst v63  }
0xc8: {  	_ =	swait.ge [sflag:s3], $0x1B0  }
0xc9: {  	[sflag:s3] =	ssyncset.done $0x0  }
0xca: {  	[sflag:s3] =	ssyncadd.s32 $0xFFFFFE50  }
0xcb: {  	[tilespmem:s8], [sflag:$0x2] =	stream.indirect.gather [hbm4b:s4+s5], $0x80, s7, s5, $0xb8;
	[tilespmem:$0x1B400] =	vst v63  }
0xcc: {  	_ =	swait.ge [sflag:s9], $0xD800  }
0xcd: {  	[sflag:s9] =	ssyncset.done $0x0  }
0xce: {  	s0 =	rddreg [dreg:$0x5];
	[sflag:s9] =	ssyncadd.s32 $0xFFFF2800  }
0xcf: {  	[hbm4b:s0+s2] =	stream.linear.scatter [tilespmem:s6], [sflag:$0x3], $0xD800, $0x38;
	[tilespmem:$0x1B400] =	vst v63  }
0xd0: {  	_ =	swait.ge [sflag:s10], $0xD800  }
0xd1: {  	[sflag:s10] =	ssyncset.done $0x0  }
0xd2: {  	s0 =	rddreg [dreg:$0x6];
	[sflag:s10] =	ssyncadd.s32 $0xFFFF2800  }
0xd3: {  	[tilespmem:s2], [sflag:$0x5] =	stream.linear.gather [hbm4b:s0+s2], $0x1B0, $0x38;
	[tilespmem:$0x1B400] =	vst v63  }
0xd4: {  	_ =	swait.ge [sflag:s3], $0x1B0  }
0xd5: {  	[sflag:s3] =	ssyncset.done $0x0  }
0xd6: {  	[sflag:s3] =	ssyncadd.s32 $0xFFFFFE50  }
0xd7: {  	[tilespmem:s6], [sflag:$0x1] =	stream.indirect.gather [hbm4b:s4+s5], $0x80, s2, s5, $0xb8;
	[tilespmem:$0x1B400] =	vst v63  }
0xd8: {  	_ =	swait.ge [sflag:s11], $0xD800  }
0xd9: {  	[sflag:s11] =	ssyncset.done $0x0  }
0xda: {  	s0 =	rddreg [dreg:$0x7];
	[sflag:s11] =	ssyncadd.s32 $0xFFFF2800  }
0xdb: {  	[hbm4b:s0+s2] =	stream.linear.scatter [tilespmem:s8], [sflag:$0x4], $0xD800, $0x38;
	[tilespmem:$0x1B400] =	vst v63  }
0xdc: {  	_ =	swait.ge [sflag:s12], $0xD800  }
0xdd: {  	[sflag:s12] =	ssyncset.done $0x0  }
0xde: {  	s0 =	rddreg [dreg:$0x8];
	[sflag:s12] =	ssyncadd.s32 $0xFFFF2800  }
0xdf: {  	[tilespmem:s7], [sflag:$0x5] =	stream.linear.gather [hbm4b:s0+s2], $0x1B0, $0x38;
	[tilespmem:$0x1B400] =	vst v63  }
0xe0: {  	_ =	swait.ge [sflag:s3], $0x1B0  }
0xe1: {  	[sflag:s3] =	ssyncset.done $0x0  }
0xe2: {  	[sflag:s3] =	ssyncadd.s32 $0xFFFFFE50  }
0xe3: {  	[tilespmem:s8], [sflag:$0x2] =	stream.indirect.gather [hbm4b:s4+s5], $0x80, s7, s5, $0xb8;
	[tilespmem:$0x1B400] =	vst v63  }
0xe4: {  	_ =	swait.ge [sflag:s9], $0xD800  }
0xe5: {  	[sflag:s9] =	ssyncset.done $0x0  }
0xe6: {  	s0 =	rddreg [dreg:$0x9];
	[sflag:s9] =	ssyncadd.s32 $0xFFFF2800  }
0xe7: {  	[hbm4b:s0+s2] =	stream.linear.scatter [tilespmem:s6], [sflag:$0x3], $0xD800, $0x38;
	[tilespmem:$0x1B400] =	vst v63  }
0xe8: {  	_ =	swait.ge [sflag:s10], $0xD800  }
0xe9: {  	[sflag:s10] =	ssyncset.done $0x0  }
0xea: {  	s0 =	rddreg [dreg:$0xa];
	[sflag:s10] =	ssyncadd.s32 $0xFFFF2800  }
0xeb: {  	[tilespmem:s2], [sflag:$0x5] =	stream.linear.gather [hbm4b:s0+s2], $0x1B0, $0x38;
	[tilespmem:$0x1B400] =	vst v63  }
0xec: {  	_ =	swait.ge [sflag:s3], $0x1B0  }
0xed: {  	[sflag:s3] =	ssyncset.done $0x0  }
0xee: {  	[sflag:s3] =	ssyncadd.s32 $0xFFFFFE50  }
0xef: {  	[tilespmem:s6], [sflag:$0x1] =	stream.indirect.gather [hbm4b:s4+s5], $0x80, s2, s5, $0xb8;
	[tilespmem:$0x1B400] =	vst v63  }
0xf0: {  	_ =	swait.ge [sflag:s11], $0xD800  }
0xf1: {  	[sflag:s11] =	ssyncset.done $0x0  }
0xf2: {  	s0 =	rddreg [dreg:$0xb];
	[sflag:s11] =	ssyncadd.s32 $0xFFFF2800  }
0xf3: {  	[hbm4b:s0+s2] =	stream.linear.scatter [tilespmem:s8], [sflag:$0x4], $0xD800, $0x38;
	[tilespmem:$0x1B400] =	vst v63  }
0xf4: {  	_ =	swait.ge [sflag:s12], $0xD800  }
0xf5: {  	[sflag:s12] =	ssyncset.done $0x0  }
0xf6: {  	s0 =	rddreg [dreg:$0xc];
	[sflag:s12] =	ssyncadd.s32 $0xFFFF2800  }
0xf7: {  	[tilespmem:s7], [sflag:$0x5] =	stream.linear.gather [hbm4b:s0+s2], $0x1B0, $0x38;
	[tilespmem:$0x1B400] =	vst v63  }
0xf8: {  	_ =	swait.ge [sflag:s3], $0x1B0  }
0xf9: {  	[sflag:s3] =	ssyncset.done $0x0  }
0xfa: {  	[sflag:s3] =	ssyncadd.s32 $0xFFFFFE50  }
0xfb: {  	[tilespmem:s8], [sflag:$0x2] =	stream.indirect.gather [hbm4b:s4+s5], $0x80, s7, s5, $0xb8;
	[tilespmem:$0x1B400] =	vst v63  }
0xfc: {  	_ =	swait.ge [sflag:s9], $0xD800  }
0xfd: {  	[sflag:s9] =	ssyncset.done $0x0  }
0xfe: {  	[sflag:s9] =	ssyncadd.s32 $0xFFFF2800  }
0xff: {  	[hbm4b:s13+s2] =	stream.linear.scatter [tilespmem:s6], [sflag:$0x3], $0xD800, $0x38;
	[tilespmem:$0x1B400] =	vst v63  }
0x100: {  	_ =	swait.ge [sflag:s10], $0xD800  }
0x101: {  	[sflag:s10] =	ssyncset.done $0x0  }
0x102: {  	[sflag:s10] =	ssyncadd.s32 $0xFFFF2800  }
0x103: {  	[tilespmem:s2], [sflag:$0x5] =	stream.linear.gather [hbm4b:s14+s2], $0x1B0, $0x38;
	[tilespmem:$0x1B400] =	vst v63  }
0x104: {  	_ =	swait.ge [sflag:s3], $0x1B0  }
0x105: {  	[sflag:s3] =	ssyncset.done $0x0  }
0x106: {  	[sflag:s3] =	ssyncadd.s32 $0xFFFFFE50  }
0x107: {  	[tilespmem:s6], [sflag:$0x1] =	stream.indirect.gather [hbm4b:s4+s5], $0x80, s2, s5, $0xb8;
	[tilespmem:$0x1B400] =	vst v63  }
0x108: {  	_ =	swait.ge [sflag:s11], $0xD800  }
0x109: {  	[sflag:s11] =	ssyncset.done $0x0  }
0x10a: {  	[sflag:s11] =	ssyncadd.s32 $0xFFFF2800  }
0x10b: {  	[hbm4b:s15+s2] =	stream.linear.scatter [tilespmem:s8], [sflag:$0x4], $0xD800, $0x38;
	[tilespmem:$0x1B400] =	vst v63  }
0x10c: {  	_ =	swait.ge [sflag:s12], $0xD800  }
0x10d: {  	[sflag:s12] =	ssyncset.done $0x0  }
0x10e: {  	[sflag:s12] =	ssyncadd.s32 $0xFFFF2800  }
0x10f: {  	[tilespmem:s7], [sflag:$0x5] =	stream.linear.gather [hbm4b:s16+s2], $0x1B0, $0x38;
	[tilespmem:$0x1B400] =	vst v63  }
0x110: {  	_ =	swait.ge [sflag:s3], $0x1B0  }
0x111: {  	[sflag:s3] =	ssyncset.done $0x0  }
0x112: {  	[sflag:s3] =	ssyncadd.s32 $0xFFFFFE50  }
0x113: {  	[tilespmem:s8], [sflag:$0x2] =	stream.indirect.gather [hbm4b:s4+s5], $0x80, s7, s5, $0xb8;
	[tilespmem:$0x1B400] =	vst v63  }
0x114: {  	_ =	swait.ge [sflag:s9], $0xD800  }
0x115: {  	[sflag:s9] =	ssyncset.done $0x0  }
0x116: {  	[sflag:s9] =	ssyncadd.s32 $0xFFFF2800  }
0x117: {  	[hbm4b:s17+s2] =	stream.linear.scatter [tilespmem:s6], [sflag:$0x3], $0xD800, $0x38;
	[tilespmem:$0x1B400] =	vst v63  }
0x118: {  	_ =	swait.ge [sflag:s10], $0xD800  }
0x119: {  	[sflag:s10] =	ssyncset.done $0x0  }
0x11a: {  	[sflag:s10] =	ssyncadd.s32 $0xFFFF2800  }
0x11b: {  	[tilespmem:s2], [sflag:$0x5] =	stream.linear.gather [hbm4b:s18+s2], $0x1B0, $0x38;
	[tilespmem:$0x1B400] =	vst v63  }
0x11c: {  	_ =	swait.ge [sflag:s3], $0x1B0  }
0x11d: {  	[sflag:s3] =	ssyncset.done $0x0  }
0x11e: {  	[sflag:s3] =	ssyncadd.s32 $0xFFFFFE50  }
0x11f: {  	[tilespmem:s6], [sflag:$0x1] =	stream.indirect.gather [hbm4b:s4+s5], $0x80, s2, s5, $0xb8;
	[tilespmem:$0x1B400] =	vst v63  }
0x120: {  	_ =	swait.ge [sflag:s11], $0xD800  }
0x121: {  	[sflag:s11] =	ssyncset.done $0x0  }
0x122: {  	[sflag:s11] =	ssyncadd.s32 $0xFFFF2800  }
0x123: {  	[hbm4b:s19+s2] =	stream.linear.scatter [tilespmem:s8], [sflag:$0x4], $0xD800, $0x38;
	[tilespmem:$0x1B400] =	vst v63  }
0x124: {  	_ =	swait.ge [sflag:s12], $0xD800  }
0x125: {  	[sflag:s12] =	ssyncset.done $0x0  }
0x126: {  	[sflag:s12] =	ssyncadd.s32 $0xFFFF2800  }
0x127: {  	[tilespmem:s7], [sflag:$0x5] =	stream.linear.gather [hbm4b:s20+s2], $0x1B0, $0x38;
	[tilespmem:$0x1B400] =	vst v63  }
0x128: {  	_ =	swait.ge [sflag:s3], $0x1B0  }
0x129: {  	[sflag:s3] =	ssyncset.done $0x0  }
0x12a: {  	[sflag:s3] =	ssyncadd.s32 $0xFFFFFE50  }
0x12b: {  	[tilespmem:s8], [sflag:$0x2] =	stream.indirect.gather [hbm4b:s4+s5], $0x80, s7, s5, $0xb8;
	[tilespmem:$0x1B400] =	vst v63  }
0x12c: {  	_ =	swait.ge [sflag:s9], $0xD800  }
0x12d: {  	[sflag:s9] =	ssyncset.done $0x0  }
0x12e: {  	[sflag:s9] =	ssyncadd.s32 $0xFFFF2800  }
0x12f: {  	[hbm4b:s21+s2] =	stream.linear.scatter [tilespmem:s6], [sflag:$0x3], $0xD800, $0x38;
	[tilespmem:$0x1B400] =	vst v63  }
0x130: {  	_ =	swait.ge [sflag:s10], $0xD800  }
0x131: {  	[sflag:s10] =	ssyncset.done $0x0  }
0x132: {  	[sflag:s10] =	ssyncadd.s32 $0xFFFF2800  }
0x133: {  	[tilespmem:s2], [sflag:$0x5] =	stream.linear.gather [hbm4b:s22+s2], $0x1B0, $0x38;
	[tilespmem:$0x1B400] =	vst v63  }
0x134: {  	_ =	swait.ge [sflag:s3], $0x1B0  }
0x135: {  	[sflag:s3] =	ssyncset.done $0x0  }
0x136: {  	[sflag:s3] =	ssyncadd.s32 $0xFFFFFE50  }
0x137: {  	[tilespmem:s6], [sflag:$0x1] =	stream.indirect.gather [hbm4b:s4+s5], $0x80, s2, s5, $0xb8;
	[tilespmem:$0x1B400] =	vst v63  }
0x138: {  	_ =	swait.ge [sflag:s11], $0xD800  }
0x139: {  	[sflag:s11] =	ssyncset.done $0x0  }
0x13a: {  	[sflag:s11] =	ssyncadd.s32 $0xFFFF2800  }
0x13b: {  	[hbm4b:s23+s2] =	stream.linear.scatter [tilespmem:s8], [sflag:$0x4], $0xD800, $0x38;
	[tilespmem:$0x1B400] =	vst v63  }
0x13c: {  	_ =	swait.ge [sflag:s12], $0xD800  }
0x13d: {  	[sflag:s12] =	ssyncset.done $0x0  }
0x13e: {  	[sflag:s12] =	ssyncadd.s32 $0xFFFF2800  }
0x13f: {  	[tilespmem:s7], [sflag:$0x5] =	stream.linear.gather [hbm4b:s24+s2], $0x1B0, $0x38;
	[tilespmem:$0x1B400] =	vst v63  }
0x140: {  	_ =	swait.ge [sflag:s3], $0x1B0  }
0x141: {  	[sflag:s3] =	ssyncset.done $0x0  }
0x142: {  	[sflag:s3] =	ssyncadd.s32 $0xFFFFFE50  }
0x143: {  	[tilespmem:s8], [sflag:$0x2] =	stream.indirect.gather [hbm4b:s4+s5], $0x80, s7, s5, $0xb8;
	[tilespmem:$0x1B400] =	vst v63  }
0x144: {  	_ =	swait.ge [sflag:s9], $0xD800  }
0x145: {  	[sflag:s9] =	ssyncset.done $0x0  }
0x146: {  	[sflag:s9] =	ssyncadd.s32 $0xFFFF2800  }
0x147: {  	[hbm4b:s25+s2] =	stream.linear.scatter [tilespmem:s6], [sflag:$0x3], $0xD800, $0x38;
	[tilespmem:$0x1B400] =	vst v63  }
0x148: {  	_ =	swait.ge [sflag:s10], $0xD800  }
0x149: {  	[sflag:s10] =	ssyncset.done $0x0  }
0x14a: {  	[sflag:s10] =	ssyncadd.s32 $0xFFFF2800  }
0x14b: {  	[tilespmem:s2], [sflag:$0x5] =	stream.linear.gather [hbm4b:s26+s2], $0x1B0, $0x38;
	[tilespmem:$0x1B400] =	vst v63  }
0x14c: {  	_ =	swait.ge [sflag:s3], $0x1B0  }
0x14d: {  	[sflag:s3] =	ssyncset.done $0x0  }
0x14e: {  	[sflag:s3] =	ssyncadd.s32 $0xFFFFFE50  }
0x14f: {  	[tilespmem:s6], [sflag:$0x1] =	stream.indirect.gather [hbm4b:s4+s5], $0x80, s2, s5, $0xb8;
	[tilespmem:$0x1B400] =	vst v63  }
0x150: {  	_ =	swait.ge [sflag:s11], $0xD800  }
0x151: {  	[sflag:s11] =	ssyncset.done $0x0  }
0x152: {  	[sflag:s11] =	ssyncadd.s32 $0xFFFF2800  }
0x153: {  	[hbm4b:s28+s2] =	stream.linear.scatter [tilespmem:s8], [sflag:$0x4], $0xD800, $0x38;
	[tilespmem:$0x1B400] =	vst v63  }
0x154: {  	_ =	swait.ge [sflag:s12], $0xD800  }
0x155: {  	[sflag:s12] =	ssyncset.done $0x0  }
0x156: {  	[sflag:s12] =	ssyncadd.s32 $0xFFFF2800  }
0x157: {  	[tilespmem:s7], [sflag:$0x5] =	stream.linear.gather [hbm4b:s29+s2], $0x1B0, $0x38;
	[tilespmem:$0x1B400] =	vst v63  }
0x158: {  	_ =	swait.ge [sflag:s3], $0x1B0  }
0x159: {  	[sflag:s3] =	ssyncset.done $0x0  }
0x15a: {  	[sflag:s3] =	ssyncadd.s32 $0xFFFFFE50  }
0x15b: {  	[tilespmem:s8], [sflag:$0x2] =	stream.indirect.gather [hbm4b:s4+s5], $0x80, s7, s5, $0xb8;
	[tilespmem:$0x1B400] =	vst v63  }
0x15c: {  	_ =	swait.ge [sflag:s9], $0xD800  }
0x15d: {  	[sflag:s9] =	ssyncset.done $0x0  }
0x15e: {  	[sflag:s9] =	ssyncadd.s32 $0xFFFF2800  }
0x15f: {  	[hbm4b:s30+s2] =	stream.linear.scatter [tilespmem:s6], [sflag:$0x3], $0xD800, $0x38;
	[tilespmem:$0x1B400] =	vst v63  }
0x160: {  	_ =	swait.ge [sflag:s11], $0xD800  }
0x161: {  	[sflag:s11] =	ssyncset.done $0x0  }
0x162: {  	p0 =	sne.s32 s1, $0x1;
	[sflag:s11] =	ssyncadd.s32 $0xFFFF2800  }
0x163: {  	[hbm4b:s31+s2] =	stream.linear.scatter [tilespmem:s8], [sflag:$0x4], $0xD800, $0x38;
	[tilespmem:$0x1B400] =	vst v63  }
.Ltmp1:
0x164: {  	_ =	swait.ge [sflag:s10], $0xD800;
	(pc) =	sbr.rel @p0 .LBB2_1-.Ltmp1, $4  }
0x165: {  	[sflag:s10] =	ssyncset.done $0x0  }
0x166: {  	[sflag:s10] =	ssyncadd.s32 $0xFFFF2800  }
0x167: {  	_ =	swait.ge [sflag:s12], $0xD800  }
0x168: {  	s1 =	sadd.s32 $0xFFFFFFFF, s1;
	[sflag:s12] =	ssyncset.done $0x0  }
.LBB2_2:
0x169: {  	[sflag:s12] =	ssyncadd.s32 $0xFFFF2800  }
0x16a: {  	_ =	sfence.sel $0x180000  }
0x16b: {  	[bflag:$0x0] =	sbarrier.arrive $0xFFFF  }
0x16c: {  	_ =	strace $0x9000004A  }
0x16d: {  	s0 =	stileid.u32;
	[bflag:$0x2] =	sbarrier.arrive $0xFFFF  }
0x16e: {  	p0 =	sne.s32 s0, $0x0;
	s0 =	rddreg [dreg:$0x2]  }
0x16f: {  	s0 =	sadd.s32 @!p0 $0x100000, s0  }
0x170: {  	[sflag:s0] =	ssyncadd.tile.s32 @!p0 $0x1;
	_ =	shalt  }
.Lfunc_end2:
_tile_overlayer_lowered:
.L_overlay_start_2:
0x171: {  	(tag) =	ssettag $0x2  }
0x172: {  	s0 =	rddreg [dreg:$0x0];
	s2 =	stileid.u32  }
0x173: {  	s1 =	rddreg [dreg:$0x1];
	p0 =	sne.s32 s2, $0x0  }
0x174: {  	s3 =	rddreg [dreg:$0x2];
	[bflag:$0x3] =	sbarrier.arrive $0xFFFF;
	s2 =	simm.s32 @!p0 $0x1C05  }
0x175: {  	[timem:s3], [sflag:s2] =	dma.local @!p0 [hbm:s0], s1  }
0x176: {  	s0 =	simm.s32 @!p0 $0x5  }
0x177: {  	_ =	swait.ge @!p0 [sflag:s0], s1  }
0x178: {  	s1 =	ssub.s32 @!p0 $0x0, s1;
	[sflag:s0] =	ssyncset.done @!p0 $0x0  }
0x179: {  	[sflag:s0] =	ssyncadd.s32 @!p0 s1  }
0x17a: {  	[bflag:$0x3] =	sbarrier.arrive $0xFFFF  }
0x17b: {  	_ =	shalt  }

</sc_bundles>
